<compile_context>
chip_gen: v7x
topology: tpu7x:2x2x1
jax: 0.10.2.dev20260603
libtpu: 0.0.44.dev20260713+nightly
codegen_flags: <defaults>
</compile_context>

<pallas_src>
import jax
import jax.numpy as jnp
from jax import lax
from jax.experimental import pallas as pl
from jax.experimental.pallas import tpu as pltpu
from jax.experimental.pallas import tpu_sc as plsc

S = 8192
D = 2048
NSLICE = 16
QNUM = 64
NV = NSLICE * QNUM
NT = S - NV
NC, NS = 2, 16
NW = NC * NS
ROWS_PER_W = S // NW
CHUNK = 16
TEXT_PER_W = NT // NW
VIS_PER_W = NV // NW
N_CHUNKS = ROWS_PER_W // CHUNK
TEXT_CHUNKS = TEXT_PER_W // CHUNK
NBUF = 3


def _sc_body(text_hbm, img_hbm, ids_hbm, table_hbm, vision_hbm, out_hbm,
             dst_v, src_v, dst_bufs, row_bufs, isems, gsems, ssems):
    wid = lax.axis_index("s") * NC + lax.axis_index("c")
    pltpu.sync_copy(text_hbm.at[pl.ds(wid * TEXT_PER_W, TEXT_PER_W)],
                    dst_v.at[pl.ds(0, TEXT_PER_W)])

    half = TEXT_PER_W // 2
    h0 = pltpu.async_copy(ids_hbm.at[dst_v.at[pl.ds(0, half)]],
                          src_v.at[pl.ds(0, half)], isems[0])
    h1 = pltpu.async_copy(ids_hbm.at[dst_v.at[pl.ds(half, half)]],
                          src_v.at[pl.ds(half, half)], isems[1])
    pltpu.sync_copy(img_hbm.at[pl.ds(wid * VIS_PER_W, VIS_PER_W)],
                    dst_v.at[pl.ds(TEXT_PER_W, VIS_PER_W)])
    def start_gather(c, b):
        dst_bufs[b][...] = dst_v[pl.ds(c * CHUNK, CHUNK)]
        if c < TEXT_CHUNKS:
            return pltpu.async_copy(
                table_hbm.at[src_v.at[pl.ds(c * CHUNK, CHUNK)]],
                row_bufs[b], gsems[b])
        off = wid * VIS_PER_W + (c - TEXT_CHUNKS) * CHUNK
        return pltpu.async_copy(vision_hbm.at[pl.ds(off, CHUNK), :],
                                row_bufs[b], gsems[b])

    order = list(range(TEXT_CHUNKS, N_CHUNKS)) + list(range(TEXT_CHUNKS))
    g_h = {}
    s_h = {}
    for step in range(N_CHUNKS + 1):
        if step < N_CHUNKS:
            cA = order[step]
            b = step % NBUF
            if step >= NBUF:
                s_h[step - NBUF].wait()
            if cA == 0:
                h0.wait()
            if cA == TEXT_PER_W // 2 // CHUNK:
                h1.wait()
            g_h[step] = start_gather(cA, b)
        if step >= 1:
            pB = step - 1
            b = pB % NBUF
            g_h[pB].wait()
            s_h[pB] = pltpu.async_copy(
                row_bufs[b], out_hbm.at[dst_bufs[b]], ssems[b])
    for p in range(N_CHUNKS - NBUF, N_CHUNKS):
        s_h[p].wait()


@jax.jit
def _run(text_pos, image_indices, input_ids, embed_table, vision_flat):
    mesh = plsc.VectorSubcoreMesh(
        core_axis_name="c", subcore_axis_name="s",
        num_cores=NC, num_subcores=NS)
    f = pl.kernel(
        _sc_body,
        out_type=jax.ShapeDtypeStruct((S, D), jnp.float32),
        mesh=mesh,
        scratch_types=[
            pltpu.VMEM((ROWS_PER_W,), jnp.int32),
            pltpu.VMEM((ROWS_PER_W,), jnp.int32),
            [pltpu.VMEM((CHUNK,), jnp.int32) for _ in range(NBUF)],
            [pltpu.VMEM((CHUNK, D), jnp.float32) for _ in range(NBUF)],
            [pltpu.SemaphoreType.DMA for _ in range(2)],
            [pltpu.SemaphoreType.DMA for _ in range(NBUF)],
            [pltpu.SemaphoreType.DMA for _ in range(NBUF)],
        ],
    )
    return f(text_pos, image_indices, input_ids, embed_table, vision_flat)


def kernel(input_ids, image_bounds, vision_hidden_states, embed_table):
    starts = image_bounds[:, 0].astype(jnp.int32)
    image_indices = (starts[:, None]
                     + jnp.arange(QNUM, dtype=jnp.int32)).reshape(-1)
    text_before = starts - QNUM * jnp.arange(NSLICE, dtype=jnp.int32)
    t = jnp.arange(NT, dtype=jnp.int32)
    k = jnp.sum(text_before[None, :] <= t[:, None], axis=1,
                dtype=jnp.int32)
    text_pos = t + QNUM * k
    vision_flat = vision_hidden_states.reshape(NV, D)
    return _run(text_pos, image_indices, input_ids.astype(jnp.int32),
                embed_table, vision_flat)

# --- scband reference (transcript-rebuilt; emitter-appended) ---
"""Pipeline reference for scband-mini-cpmvbase-model-31662498906388 (READ-ONLY COPY).

The authoritative reference and input builder live on the scoring server;
editing this copy changes nothing except your own understanding.
"""

import jax, jax.numpy as jnp
import numpy as np

VOCAB = 32000
D = 2048
S = 8192
NSLICE = 16
QNUM = 64


def setup_inputs(seed: int = 0) -> dict:
    key = jax.random.key(seed)
    k1, k2, k3 = jax.random.split(key, 3)
    input_ids = jax.random.randint(k1, (S,), 0, VOCAB, dtype=jnp.int32)
    # Non-overlapping (start, end) bounds, each spanning exactly QNUM tokens
    # (mirrors MiniCPM-V image placeholder regions in the prompt).
    starts = jnp.arange(NSLICE, dtype=jnp.int32) * 512 + 1
    image_bounds = jnp.stack([starts, starts + QNUM], axis=1)
    vision_hidden_states = jax.random.normal(k2, (NSLICE, QNUM, D), dtype=jnp.float32)
    # learned parameter: LLM input embedding table
    embed_table = jax.random.normal(k3, (VOCAB, D), dtype=jnp.float32) * 0.02
    return {
        "input_ids": input_ids,
        "image_bounds": image_bounds,
        "vision_hidden_states": vision_hidden_states,
        "embed_table": embed_table,
    }


def reference(input_ids, image_bounds, vision_hidden_states, embed_table):
    # vlm_embedding = self.llm.get_input_embeddings(input_ids)
    vlm_embedding = jnp.take(embed_table, input_ids, axis=0)
    # image_indices = stack of arange(start, end) per bound; each span is QNUM long
    starts = image_bounds[:, 0]
    image_indices = (starts[:, None] + jnp.arange(QNUM, dtype=image_bounds.dtype)).reshape(-1)
    # vlm_embedding.scatter_(0, image_indices..., vision_hidden_states.view(-1, d))
    vision_flat = vision_hidden_states.reshape(-1, vision_hidden_states.shape[-1])
    vlm_embedding = vlm_embedding.at[image_indices].set(vision_flat)
    return vlm_embedding

if __name__ == "__main__":
    import jax
    _d = setup_inputs()
    print(jax.jit(kernel)(*tuple(_d.values())))

</pallas_src>

<mosaic_0001>
#map = affine_map<(d0, d1) -> (0)>
#map1 = affine_map<(d0, d1) -> (0, 0)>
module attributes {stable_mosaic.version = 14 : i64} {
  func.func @_sc_body(%arg0: i32, %arg1: i32, %arg2: memref<7168xi32, #tpu.memory_space<hbm>>, %arg3: memref<1024xi32, #tpu.memory_space<hbm>>, %arg4: memref<8192xi32, #tpu.memory_space<hbm>>, %arg5: memref<32000x2048xf32, #tpu.memory_space<hbm>>, %arg6: memref<1024x2048xf32, #tpu.memory_space<hbm>>, %arg7: memref<8192x2048xf32, #tpu.memory_space<hbm>>, %arg8: memref<256xi32, #tpu.memory_space<vmem>>, %arg9: memref<256xi32, #tpu.memory_space<vmem>>, %arg10: memref<16xi32, #tpu.memory_space<vmem>>, %arg11: memref<16xi32, #tpu.memory_space<vmem>>, %arg12: memref<16xi32, #tpu.memory_space<vmem>>, %arg13: memref<16x2048xf32, #tpu.memory_space<vmem>>, %arg14: memref<16x2048xf32, #tpu.memory_space<vmem>>, %arg15: memref<16x2048xf32, #tpu.memory_space<vmem>>, %arg16: memref<!tpu.dma_semaphore, #tpu.memory_space<semaphore_mem>>, %arg17: memref<!tpu.dma_semaphore, #tpu.memory_space<semaphore_mem>>, %arg18: memref<!tpu.dma_semaphore, #tpu.memory_space<semaphore_mem>>, %arg19: memref<!tpu.dma_semaphore, #tpu.memory_space<semaphore_mem>>, %arg20: memref<!tpu.dma_semaphore, #tpu.memory_space<semaphore_mem>>, %arg21: memref<!tpu.dma_semaphore, #tpu.memory_space<semaphore_mem>>, %arg22: memref<!tpu.dma_semaphore, #tpu.memory_space<semaphore_mem>>, %arg23: memref<!tpu.dma_semaphore, #tpu.memory_space<semaphore_mem>>) attributes {dimension_semantics = [#tpu.dimension_semantics<core_parallel>, #tpu.dimension_semantics<subcore_parallel>], iteration_bounds = array<i64: 2, 16>, scalar_prefetch = 0 : i64, scratch_operands = 16 : i64, tpu.core_type = #tpu.core_type<sc_vector_subcore>, window_params = [{transform_indices = #map}, {transform_indices = #map}, {transform_indices = #map}, {transform_indices = #map1}, {transform_indices = #map1}, {transform_indices = #map1}]} {
    %mul3A = arith.constant 2 : i32
    %mul3A_0 = arith.muli %arg1, %mul3A : i32
    %add3A = arith.addi %mul3A_0, %arg0 : i32
    %mul3A_1 = arith.constant 224 : i32
    %mul3A_2 = arith.muli %add3A, %mul3A_1 : i32
    "tpu.region"() ({
      %run_scoped3A = tpu.sem_alloc : memref<!tpu.dma_semaphore, #tpu.memory_space<semaphore_mem>>
      %dma_start3A_397 = arith.constant 0 : i32
      %dma_start3A_398 = tpu.memref_slice %arg8[%dma_start3A_397] : memref<256xi32, #tpu.memory_space<vmem>> -> memref<224xi32, #tpu.memory_space<vmem>>
      %dma_start3A_399 = tpu.memref_slice %arg2[%mul3A_2] : memref<7168xi32, #tpu.memory_space<hbm>> -> memref<224xi32, #tpu.memory_space<hbm>>
      %dma_start3A_400 = arith.constant 0 : i32
      %dma_start3A_401 = tpu.memref_slice %arg8[%dma_start3A_400] : memref<256xi32, #tpu.memory_space<vmem>> -> memref<224xi32, #tpu.memory_space<vmem>>
      %dma_start3A_402 = tpu.memref_slice %arg2[%mul3A_2] : memref<7168xi32, #tpu.memory_space<hbm>> -> memref<224xi32, #tpu.memory_space<hbm>>
      tpu.enqueue_dma source(%dma_start3A_402 : memref<224xi32, #tpu.memory_space<hbm>>) target(%dma_start3A_401 : memref<224xi32, #tpu.memory_space<vmem>>) target_semaphore(%run_scoped3A : memref<!tpu.dma_semaphore, #tpu.memory_space<semaphore_mem>>)
      %dma_wait3A_403 = arith.constant 0 : i32
      %dma_wait3A_404 = tpu.memref_slice %arg8[%dma_wait3A_403] : memref<256xi32, #tpu.memory_space<vmem>> -> memref<224xi32, #tpu.memory_space<vmem>>
      %dma_wait3A_405 = tpu.memref_slice %arg2[%mul3A_2] : memref<7168xi32, #tpu.memory_space<hbm>> -> memref<224xi32, #tpu.memory_space<hbm>>
      %dma_wait3A_406 = arith.constant 0 : i32
      %dma_wait3A_407 = tpu.memref_slice %arg8[%dma_wait3A_406] : memref<256xi32, #tpu.memory_space<vmem>> -> memref<224xi32, #tpu.memory_space<vmem>>
      %dma_wait3A_408 = tpu.memref_slice %arg2[%mul3A_2] : memref<7168xi32, #tpu.memory_space<hbm>> -> memref<224xi32, #tpu.memory_space<hbm>>
      tpu.wait_dma2 semaphore(%run_scoped3A : memref<!tpu.dma_semaphore, #tpu.memory_space<semaphore_mem>>) src(%dma_wait3A_408 : memref<224xi32, #tpu.memory_space<hbm>>) dst(%dma_wait3A_407 : memref<224xi32, #tpu.memory_space<vmem>>)
      tpu.yield
    }) : () -> ()
    %dma_start3A = arith.constant 0 : i32
    %dma_start3A_3 = tpu.memref_slice %arg9[%dma_start3A] : memref<256xi32, #tpu.memory_space<vmem>> -> memref<112xi32, #tpu.memory_space<vmem>>
    %dma_start3A_4 = arith.constant 0 : i32
    %dma_start3A_5 = tpu.memref_slice %arg8[%dma_start3A_4] : memref<256xi32, #tpu.memory_space<vmem>> -> memref<112xi32, #tpu.memory_space<vmem>>
    %dma_start3A_6 = arith.constant 0 : i32
    %dma_start3A_7 = tpu.memref_slice %arg4[%dma_start3A_6] : memref<8192xi32, #tpu.memory_space<hbm>> -> memref<8192xi32, #tpu.memory_space<hbm>>
    tpu.enqueue_indirect_dma source(%dma_start3A_7 : memref<8192xi32, #tpu.memory_space<hbm>>) target(%dma_start3A_3 : memref<112xi32, #tpu.memory_space<vmem>>) offsets(%dma_start3A_5 : memref<112xi32, #tpu.memory_space<vmem>>) semaphore(%arg16 : memref<!tpu.dma_semaphore, #tpu.memory_space<semaphore_mem>>)
    %dma_start3A_8 = arith.constant 112 : i32
    %dma_start3A_9 = tpu.memref_slice %arg9[%dma_start3A_8] : memref<256xi32, #tpu.memory_space<vmem>> -> memref<112xi32, #tpu.memory_space<vmem>>
    %dma_start3A_10 = arith.constant 112 : i32
    %dma_start3A_11 = tpu.memref_slice %arg8[%dma_start3A_10] : memref<256xi32, #tpu.memory_space<vmem>> -> memref<112xi32, #tpu.memory_space<vmem>>
    %dma_start3A_12 = arith.constant 0 : i32
    %dma_start3A_13 = tpu.memref_slice %arg4[%dma_start3A_12] : memref<8192xi32, #tpu.memory_space<hbm>> -> memref<8192xi32, #tpu.memory_space<hbm>>
    tpu.enqueue_indirect_dma source(%dma_start3A_13 : memref<8192xi32, #tpu.memory_space<hbm>>) target(%dma_start3A_9 : memref<112xi32, #tpu.memory_space<vmem>>) offsets(%dma_start3A_11 : memref<112xi32, #tpu.memory_space<vmem>>) semaphore(%arg17 : memref<!tpu.dma_semaphore, #tpu.memory_space<semaphore_mem>>)
    %mul3A_14 = arith.constant 32 : i32
    %mul3A_15 = arith.muli %add3A, %mul3A_14 : i32
    "tpu.region"() ({
      %run_scoped3A = tpu.sem_alloc : memref<!tpu.dma_semaphore, #tpu.memory_space<semaphore_mem>>
      %dma_start3A_397 = arith.constant 224 : i32
      %dma_start3A_398 = tpu.memref_slice %arg8[%dma_start3A_397] : memref<256xi32, #tpu.memory_space<vmem>> -> memref<32xi32, #tpu.memory_space<vmem>>
      %dma_start3A_399 = tpu.memref_slice %arg3[%mul3A_15] : memref<1024xi32, #tpu.memory_space<hbm>> -> memref<32xi32, #tpu.memory_space<hbm>>
      %dma_start3A_400 = arith.constant 224 : i32
      %dma_start3A_401 = tpu.memref_slice %arg8[%dma_start3A_400] : memref<256xi32, #tpu.memory_space<vmem>> -> memref<32xi32, #tpu.memory_space<vmem>>
      %dma_start3A_402 = tpu.memref_slice %arg3[%mul3A_15] : memref<1024xi32, #tpu.memory_space<hbm>> -> memref<32xi32, #tpu.memory_space<hbm>>
      tpu.enqueue_dma source(%dma_start3A_402 : memref<32xi32, #tpu.memory_space<hbm>>) target(%dma_start3A_401 : memref<32xi32, #tpu.memory_space<vmem>>) target_semaphore(%run_scoped3A : memref<!tpu.dma_semaphore, #tpu.memory_space<semaphore_mem>>)
      %dma_wait3A_403 = arith.constant 224 : i32
      %dma_wait3A_404 = tpu.memref_slice %arg8[%dma_wait3A_403] : memref<256xi32, #tpu.memory_space<vmem>> -> memref<32xi32, #tpu.memory_space<vmem>>
      %dma_wait3A_405 = tpu.memref_slice %arg3[%mul3A_15] : memref<1024xi32, #tpu.memory_space<hbm>> -> memref<32xi32, #tpu.memory_space<hbm>>
      %dma_wait3A_406 = arith.constant 224 : i32
      %dma_wait3A_407 = tpu.memref_slice %arg8[%dma_wait3A_406] : memref<256xi32, #tpu.memory_space<vmem>> -> memref<32xi32, #tpu.memory_space<vmem>>
      %dma_wait3A_408 = tpu.memref_slice %arg3[%mul3A_15] : memref<1024xi32, #tpu.memory_space<hbm>> -> memref<32xi32, #tpu.memory_space<hbm>>
      tpu.wait_dma2 semaphore(%run_scoped3A : memref<!tpu.dma_semaphore, #tpu.memory_space<semaphore_mem>>) src(%dma_wait3A_408 : memref<32xi32, #tpu.memory_space<hbm>>) dst(%dma_wait3A_407 : memref<32xi32, #tpu.memory_space<vmem>>)
      tpu.yield
    }) : () -> ()
    %get3A = arith.constant 224 : index
    %get3A_16 = tpu.vector_load %arg8[%get3A] {strides = array<i32>} : memref<256xi32, #tpu.memory_space<vmem>>, vector<16xi32>,
    %get3A_17 = vector.shape_cast %get3A_16 : vector<16xi32> to vector<16xi32>
    %swap3A = arith.constant 0 : index
    %swap3A_18 = tpu.vector_load %arg10[%swap3A] {strides = array<i32>} : memref<16xi32, #tpu.memory_space<vmem>>, vector<16xi32>,
    %swap3A_19 = vector.shape_cast %swap3A_18 : vector<16xi32> to vector<16xi32>
    %swap3A_20 = vector.shape_cast %get3A_17 : vector<16xi32> to vector<16xi32>
    tpu.vector_store %arg10[%swap3A], %swap3A_20 {strides = array<i32>} : memref<16xi32, #tpu.memory_space<vmem>>, vector<16xi32>,
    %mul3A_21 = arith.constant 32 : i32
    %mul3A_22 = arith.muli %add3A, %mul3A_21 : i32
    %add3A_23 = arith.constant 0 : i32
    %add3A_24 = arith.addi %mul3A_22, %add3A_23 : i32
    %dma_start3A_25 = arith.constant 0 : i32
    %dma_start3A_26 = tpu.memref_slice %arg6[%add3A_24, %dma_start3A_25] : memref<1024x2048xf32, #tpu.memory_space<hbm>> -> memref<16x2048xf32, #tpu.memory_space<hbm>>
    %dma_start3A_27 = arith.constant 0 : i32
    %dma_start3A_28 = tpu.memref_slice %arg6[%add3A_24, %dma_start3A_27] : memref<1024x2048xf32, #tpu.memory_space<hbm>> -> memref<16x2048xf32, #tpu.memory_space<hbm>>
    tpu.enqueue_dma source(%dma_start3A_28 : memref<16x2048xf32, #tpu.memory_space<hbm>>) target(%arg13 : memref<16x2048xf32, #tpu.memory_space<vmem>>) target_semaphore(%arg18 : memref<!tpu.dma_semaphore, #tpu.memory_space<semaphore_mem>>)
    %get3A_29 = arith.constant 240 : index
    %get3A_30 = tpu.vector_load %arg8[%get3A_29] {strides = array<i32>} : memref<256xi32, #tpu.memory_space<vmem>>, vector<16xi32>,
    %get3A_31 = vector.shape_cast %get3A_30 : vector<16xi32> to vector<16xi32>
    %swap3A_32 = arith.constant 0 : index
    %swap3A_33 = tpu.vector_load %arg11[%swap3A_32] {strides = array<i32>} : memref<16xi32, #tpu.memory_space<vmem>>, vector<16xi32>,
    %swap3A_34 = vector.shape_cast %swap3A_33 : vector<16xi32> to vector<16xi32>
    %swap3A_35 = vector.shape_cast %get3A_31 : vector<16xi32> to vector<16xi32>
    tpu.vector_store %arg11[%swap3A_32], %swap3A_35 {strides = array<i32>} : memref<16xi32, #tpu.memory_space<vmem>>, vector<16xi32>,
    %mul3A_36 = arith.constant 32 : i32
    %mul3A_37 = arith.muli %add3A, %mul3A_36 : i32
    %add3A_38 = arith.constant 16 : i32
    %add3A_39 = arith.addi %mul3A_37, %add3A_38 : i32
    %dma_start3A_40 = arith.constant 0 : i32
    %dma_start3A_41 = tpu.memref_slice %arg6[%add3A_39, %dma_start3A_40] : memref<1024x2048xf32, #tpu.memory_space<hbm>> -> memref<16x2048xf32, #tpu.memory_space<hbm>>
    %dma_start3A_42 = arith.constant 0 : i32
    %dma_start3A_43 = tpu.memref_slice %arg6[%add3A_39, %dma_start3A_42] : memref<1024x2048xf32, #tpu.memory_space<hbm>> -> memref<16x2048xf32, #tpu.memory_space<hbm>>
    tpu.enqueue_dma source(%dma_start3A_43 : memref<16x2048xf32, #tpu.memory_space<hbm>>) target(%arg14 : memref<16x2048xf32, #tpu.memory_space<vmem>>) target_semaphore(%arg19 : memref<!tpu.dma_semaphore, #tpu.memory_space<semaphore_mem>>)
    %dma_wait3A = arith.constant 0 : i32
    %dma_wait3A_44 = tpu.memref_slice %arg6[%add3A_24, %dma_wait3A] : memref<1024x2048xf32, #tpu.memory_space<hbm>> -> memref<16x2048xf32, #tpu.memory_space<hbm>>
    %dma_wait3A_45 = arith.constant 0 : i32
    %dma_wait3A_46 = tpu.memref_slice %arg6[%add3A_24, %dma_wait3A_45] : memref<1024x2048xf32, #tpu.memory_space<hbm>> -> memref<16x2048xf32, #tpu.memory_space<hbm>>
    tpu.wait_dma2 semaphore(%arg18 : memref<!tpu.dma_semaphore, #tpu.memory_space<semaphore_mem>>) src(%dma_wait3A_46 : memref<16x2048xf32, #tpu.memory_space<hbm>>) dst(%arg13 : memref<16x2048xf32, #tpu.memory_space<vmem>>)
    %dma_start3A_47 = arith.constant 0 : i32
    %dma_start3A_48 = arith.constant 0 : i32
    %dma_start3A_49 = tpu.memref_slice %arg7[%dma_start3A_47, %dma_start3A_48] : memref<8192x2048xf32, #tpu.memory_space<hbm>> -> memref<8192x2048xf32, #tpu.memory_space<hbm>>
    tpu.enqueue_indirect_dma source(%arg13 : memref<16x2048xf32, #tpu.memory_space<vmem>>) target(%dma_start3A_49 : memref<8192x2048xf32, #tpu.memory_space<hbm>>) offsets(%arg10 : memref<16xi32, #tpu.memory_space<vmem>>) semaphore(%arg21 : memref<!tpu.dma_semaphore, #tpu.memory_space<semaphore_mem>>)
    %dma_wait3A_50 = arith.constant 0 : i32
    %dma_wait3A_51 = tpu.memref_slice %arg9[%dma_wait3A_50] : memref<256xi32, #tpu.memory_space<vmem>> -> memref<112xi32, #tpu.memory_space<vmem>>
    %dma_wait3A_52 = arith.constant 0 : i32
    %dma_wait3A_53 = tpu.memref_slice %arg8[%dma_wait3A_52] : memref<256xi32, #tpu.memory_space<vmem>> -> memref<112xi32, #tpu.memory_space<vmem>>
    %dma_wait3A_54 = arith.constant 0 : i32
    %dma_wait3A_55 = tpu.memref_slice %arg4[%dma_wait3A_54] : memref<8192xi32, #tpu.memory_space<hbm>> -> memref<8192xi32, #tpu.memory_space<hbm>>
    tpu.wait_indirect_dma semaphore(%arg16 : memref<!tpu.dma_semaphore, #tpu.memory_space<semaphore_mem>>) src(%dma_wait3A_55 : memref<8192xi32, #tpu.memory_space<hbm>>) dst(%dma_wait3A_51 : memref<112xi32, #tpu.memory_space<vmem>>)
    %get3A_56 = arith.constant 0 : index
    %get3A_57 = tpu.vector_load %arg8[%get3A_56] {strides = array<i32>} : memref<256xi32, #tpu.memory_space<vmem>>, vector<16xi32>,
    %get3A_58 = vector.shape_cast %get3A_57 : vector<16xi32> to vector<16xi32>
    %swap3A_59 = arith.constant 0 : index
    %swap3A_60 = tpu.vector_load %arg12[%swap3A_59] {strides = array<i32>} : memref<16xi32, #tpu.memory_space<vmem>>, vector<16xi32>,
    %swap3A_61 = vector.shape_cast %swap3A_60 : vector<16xi32> to vector<16xi32>
    %swap3A_62 = vector.shape_cast %get3A_58 : vector<16xi32> to vector<16xi32>
    tpu.vector_store %arg12[%swap3A_59], %swap3A_62 {strides = array<i32>} : memref<16xi32, #tpu.memory_space<vmem>>, vector<16xi32>,
    %dma_start3A_63 = arith.constant 0 : i32
    %dma_start3A_64 = tpu.memref_slice %arg9[%dma_start3A_63] : memref<256xi32, #tpu.memory_space<vmem>> -> memref<16xi32, #tpu.memory_space<vmem>>
    %dma_start3A_65 = arith.constant 0 : i32
    %dma_start3A_66 = arith.constant 0 : i32
    %dma_start3A_67 = tpu.memref_slice %arg5[%dma_start3A_65, %dma_start3A_66] : memref<32000x2048xf32, #tpu.memory_space<hbm>> -> memref<32000x2048xf32, #tpu.memory_space<hbm>>
    tpu.enqueue_indirect_dma source(%dma_start3A_67 : memref<32000x2048xf32, #tpu.memory_space<hbm>>) target(%arg15 : memref<16x2048xf32, #tpu.memory_space<vmem>>) offsets(%dma_start3A_64 : memref<16xi32, #tpu.memory_space<vmem>>) semaphore(%arg20 : memref<!tpu.dma_semaphore, #tpu.memory_space<semaphore_mem>>)
    %dma_wait3A_68 = arith.constant 0 : i32
    %dma_wait3A_69 = tpu.memref_slice %arg6[%add3A_39, %dma_wait3A_68] : memref<1024x2048xf32, #tpu.memory_space<hbm>> -> memref<16x2048xf32, #tpu.memory_space<hbm>>
    %dma_wait3A_70 = arith.constant 0 : i32
    %dma_wait3A_71 = tpu.memref_slice %arg6[%add3A_39, %dma_wait3A_70] : memref<1024x2048xf32, #tpu.memory_space<hbm>> -> memref<16x2048xf32, #tpu.memory_space<hbm>>
    tpu.wait_dma2 semaphore(%arg19 : memref<!tpu.dma_semaphore, #tpu.memory_space<semaphore_mem>>) src(%dma_wait3A_71 : memref<16x2048xf32, #tpu.memory_space<hbm>>) dst(%arg14 : memref<16x2048xf32, #tpu.memory_space<vmem>>)
    %dma_start3A_72 = arith.constant 0 : i32
    %dma_start3A_73 = arith.constant 0 : i32
    %dma_start3A_74 = tpu.memref_slice %arg7[%dma_start3A_72, %dma_start3A_73] : memref<8192x2048xf32, #tpu.memory_space<hbm>> -> memref<8192x2048xf32, #tpu.memory_space<hbm>>
    tpu.enqueue_indirect_dma source(%arg14 : memref<16x2048xf32, #tpu.memory_space<vmem>>) target(%dma_start3A_74 : memref<8192x2048xf32, #tpu.memory_space<hbm>>) offsets(%arg11 : memref<16xi32, #tpu.memory_space<vmem>>) semaphore(%arg22 : memref<!tpu.dma_semaphore, #tpu.memory_space<semaphore_mem>>)
    %dma_wait3A_75 = arith.constant 0 : i32
    %dma_wait3A_76 = arith.constant 0 : i32
    %dma_wait3A_77 = tpu.memref_slice %arg7[%dma_wait3A_75, %dma_wait3A_76] : memref<8192x2048xf32, #tpu.memory_space<hbm>> -> memref<8192x2048xf32, #tpu.memory_space<hbm>>
    tpu.wait_indirect_dma semaphore(%arg21 : memref<!tpu.dma_semaphore, #tpu.memory_space<semaphore_mem>>) src(%arg13 : memref<16x2048xf32, #tpu.memory_space<vmem>>) dst(%dma_wait3A_77 : memref<8192x2048xf32, #tpu.memory_space<hbm>>)
    %get3A_78 = arith.constant 16 : index
    %get3A_79 = tpu.vector_load %arg8[%get3A_78] {strides = array<i32>} : memref<256xi32, #tpu.memory_space<vmem>>, vector<16xi32>,
    %get3A_80 = vector.shape_cast %get3A_79 : vector<16xi32> to vector<16xi32>
    %swap3A_81 = arith.constant 0 : index
    %swap3A_82 = tpu.vector_load %arg10[%swap3A_81] {strides = array<i32>} : memref<16xi32, #tpu.memory_space<vmem>>, vector<16xi32>,
    %swap3A_83 = vector.shape_cast %swap3A_82 : vector<16xi32> to vector<16xi32>
    %swap3A_84 = vector.shape_cast %get3A_80 : vector<16xi32> to vector<16xi32>
    tpu.vector_store %arg10[%swap3A_81], %swap3A_84 {strides = array<i32>} : memref<16xi32, #tpu.memory_space<vmem>>, vector<16xi32>,
    %dma_start3A_85 = arith.constant 16 : i32
    %dma_start3A_86 = tpu.memref_slice %arg9[%dma_start3A_85] : memref<256xi32, #tpu.memory_space<vmem>> -> memref<16xi32, #tpu.memory_space<vmem>>
    %dma_start3A_87 = arith.constant 0 : i32
    %dma_start3A_88 = arith.constant 0 : i32
    %dma_start3A_89 = tpu.memref_slice %arg5[%dma_start3A_87, %dma_start3A_88] : memref<32000x2048xf32, #tpu.memory_space<hbm>> -> memref<32000x2048xf32, #tpu.memory_space<hbm>>
    tpu.enqueue_indirect_dma source(%dma_start3A_89 : memref<32000x2048xf32, #tpu.memory_space<hbm>>) target(%arg13 : memref<16x2048xf32, #tpu.memory_space<vmem>>) offsets(%dma_start3A_86 : memref<16xi32, #tpu.memory_space<vmem>>) semaphore(%arg18 : memref<!tpu.dma_semaphore, #tpu.memory_space<semaphore_mem>>)
    %dma_wait3A_90 = arith.constant 0 : i32
    %dma_wait3A_91 = tpu.memref_slice %arg9[%dma_wait3A_90] : memref<256xi32, #tpu.memory_space<vmem>> -> memref<16xi32, #tpu.memory_space<vmem>>
    %dma_wait3A_92 = arith.constant 0 : i32
    %dma_wait3A_93 = arith.constant 0 : i32
    %dma_wait3A_94 = tpu.memref_slice %arg5[%dma_wait3A_92, %dma_wait3A_93] : memref<32000x2048xf32, #tpu.memory_space<hbm>> -> memref<32000x2048xf32, #tpu.memory_space<hbm>>
    tpu.wait_indirect_dma semaphore(%arg20 : memref<!tpu.dma_semaphore, #tpu.memory_space<semaphore_mem>>) src(%dma_wait3A_94 : memref<32000x2048xf32, #tpu.memory_space<hbm>>) dst(%arg15 : memref<16x2048xf32, #tpu.memory_space<vmem>>)
    %dma_start3A_95 = arith.constant 0 : i32
    %dma_start3A_96 = arith.constant 0 : i32
    %dma_start3A_97 = tpu.memref_slice %arg7[%dma_start3A_95, %dma_start3A_96] : memref<8192x2048xf32, #tpu.memory_space<hbm>> -> memref<8192x2048xf32, #tpu.memory_space<hbm>>
    tpu.enqueue_indirect_dma source(%arg15 : memref<16x2048xf32, #tpu.memory_space<vmem>>) target(%dma_start3A_97 : memref<8192x2048xf32, #tpu.memory_space<hbm>>) offsets(%arg12 : memref<16xi32, #tpu.memory_space<vmem>>) semaphore(%arg23 : memref<!tpu.dma_semaphore, #tpu.memory_space<semaphore_mem>>)
    %dma_wait3A_98 = arith.constant 0 : i32
    %dma_wait3A_99 = arith.constant 0 : i32
    %dma_wait3A_100 = tpu.memref_slice %arg7[%dma_wait3A_98, %dma_wait3A_99] : memref<8192x2048xf32, #tpu.memory_space<hbm>> -> memref<8192x2048xf32, #tpu.memory_space<hbm>>
    tpu.wait_indirect_dma semaphore(%arg22 : memref<!tpu.dma_semaphore, #tpu.memory_space<semaphore_mem>>) src(%arg14 : memref<16x2048xf32, #tpu.memory_space<vmem>>) dst(%dma_wait3A_100 : memref<8192x2048xf32, #tpu.memory_space<hbm>>)
    %get3A_101 = arith.constant 32 : index
    %get3A_102 = tpu.vector_load %arg8[%get3A_101] {strides = array<i32>} : memref<256xi32, #tpu.memory_space<vmem>>, vector<16xi32>,
    %get3A_103 = vector.shape_cast %get3A_102 : vector<16xi32> to vector<16xi32>
    %swap3A_104 = arith.constant 0 : index
    %swap3A_105 = tpu.vector_load %arg11[%swap3A_104] {strides = array<i32>} : memref<16xi32, #tpu.memory_space<vmem>>, vector<16xi32>,
    %swap3A_106 = vector.shape_cast %swap3A_105 : vector<16xi32> to vector<16xi32>
    %swap3A_107 = vector.shape_cast %get3A_103 : vector<16xi32> to vector<16xi32>
    tpu.vector_store %arg11[%swap3A_104], %swap3A_107 {strides = array<i32>} : memref<16xi32, #tpu.memory_space<vmem>>, vector<16xi32>,
    %dma_start3A_108 = arith.constant 32 : i32
    %dma_start3A_109 = tpu.memref_slice %arg9[%dma_start3A_108] : memref<256xi32, #tpu.memory_space<vmem>> -> memref<16xi32, #tpu.memory_space<vmem>>
    %dma_start3A_110 = arith.constant 0 : i32
    %dma_start3A_111 = arith.constant 0 : i32
    %dma_start3A_112 = tpu.memref_slice %arg5[%dma_start3A_110, %dma_start3A_111] : memref<32000x2048xf32, #tpu.memory_space<hbm>> -> memref<32000x2048xf32, #tpu.memory_space<hbm>>
    tpu.enqueue_indirect_dma source(%dma_start3A_112 : memref<32000x2048xf32, #tpu.memory_space<hbm>>) target(%arg14 : memref<16x2048xf32, #tpu.memory_space<vmem>>) offsets(%dma_start3A_109 : memref<16xi32, #tpu.memory_space<vmem>>) semaphore(%arg19 : memref<!tpu.dma_semaphore, #tpu.memory_space<semaphore_mem>>)
    %dma_wait3A_113 = arith.constant 16 : i32
    %dma_wait3A_114 = tpu.memref_slice %arg9[%dma_wait3A_113] : memref<256xi32, #tpu.memory_space<vmem>> -> memref<16xi32, #tpu.memory_space<vmem>>
    %dma_wait3A_115 = arith.constant 0 : i32
    %dma_wait3A_116 = arith.constant 0 : i32
    %dma_wait3A_117 = tpu.memref_slice %arg5[%dma_wait3A_115, %dma_wait3A_116] : memref<32000x2048xf32, #tpu.memory_space<hbm>> -> memref<32000x2048xf32, #tpu.memory_space<hbm>>
    tpu.wait_indirect_dma semaphore(%arg18 : memref<!tpu.dma_semaphore, #tpu.memory_space<semaphore_mem>>) src(%dma_wait3A_117 : memref<32000x2048xf32, #tpu.memory_space<hbm>>) dst(%arg13 : memref<16x2048xf32, #tpu.memory_space<vmem>>)
    %dma_start3A_118 = arith.constant 0 : i32
    %dma_start3A_119 = arith.constant 0 : i32
    %dma_start3A_120 = tpu.memref_slice %arg7[%dma_start3A_118, %dma_start3A_119] : memref<8192x2048xf32, #tpu.memory_space<hbm>> -> memref<8192x2048xf32, #tpu.memory_space<hbm>>
    tpu.enqueue_indirect_dma source(%arg13 : memref<16x2048xf32, #tpu.memory_space<vmem>>) target(%dma_start3A_120 : memref<8192x2048xf32, #tpu.memory_space<hbm>>) offsets(%arg10 : memref<16xi32, #tpu.memory_space<vmem>>) semaphore(%arg21 : memref<!tpu.dma_semaphore, #tpu.memory_space<semaphore_mem>>)
    %dma_wait3A_121 = arith.constant 0 : i32
    %dma_wait3A_122 = arith.constant 0 : i32
    %dma_wait3A_123 = tpu.memref_slice %arg7[%dma_wait3A_121, %dma_wait3A_122] : memref<8192x2048xf32, #tpu.memory_space<hbm>> -> memref<8192x2048xf32, #tpu.memory_space<hbm>>
    tpu.wait_indirect_dma semaphore(%arg23 : memref<!tpu.dma_semaphore, #tpu.memory_space<semaphore_mem>>) src(%arg15 : memref<16x2048xf32, #tpu.memory_space<vmem>>) dst(%dma_wait3A_123 : memref<8192x2048xf32, #tpu.memory_space<hbm>>)
    %get3A_124 = arith.constant 48 : index
    %get3A_125 = tpu.vector_load %arg8[%get3A_124] {strides = array<i32>} : memref<256xi32, #tpu.memory_space<vmem>>, vector<16xi32>,
    %get3A_126 = vector.shape_cast %get3A_125 : vector<16xi32> to vector<16xi32>
    %swap3A_127 = arith.constant 0 : index
    %swap3A_128 = tpu.vector_load %arg12[%swap3A_127] {strides = array<i32>} : memref<16xi32, #tpu.memory_space<vmem>>, vector<16xi32>,
    %swap3A_129 = vector.shape_cast %swap3A_128 : vector<16xi32> to vector<16xi32>
    %swap3A_130 = vector.shape_cast %get3A_126 : vector<16xi32> to vector<16xi32>
    tpu.vector_store %arg12[%swap3A_127], %swap3A_130 {strides = array<i32>} : memref<16xi32, #tpu.memory_space<vmem>>, vector<16xi32>,
    %dma_start3A_131 = arith.constant 48 : i32
    %dma_start3A_132 = tpu.memref_slice %arg9[%dma_start3A_131] : memref<256xi32, #tpu.memory_space<vmem>> -> memref<16xi32, #tpu.memory_space<vmem>>
    %dma_start3A_133 = arith.constant 0 : i32
    %dma_start3A_134 = arith.constant 0 : i32
    %dma_start3A_135 = tpu.memref_slice %arg5[%dma_start3A_133, %dma_start3A_134] : memref<32000x2048xf32, #tpu.memory_space<hbm>> -> memref<32000x2048xf32, #tpu.memory_space<hbm>>
    tpu.enqueue_indirect_dma source(%dma_start3A_135 : memref<32000x2048xf32, #tpu.memory_space<hbm>>) target(%arg15 : memref<16x2048xf32, #tpu.memory_space<vmem>>) offsets(%dma_start3A_132 : memref<16xi32, #tpu.memory_space<vmem>>) semaphore(%arg20 : memref<!tpu.dma_semaphore, #tpu.memory_space<semaphore_mem>>)
    %dma_wait3A_136 = arith.constant 32 : i32
    %dma_wait3A_137 = tpu.memref_slice %arg9[%dma_wait3A_136] : memref<256xi32, #tpu.memory_space<vmem>> -> memref<16xi32, #tpu.memory_space<vmem>>
    %dma_wait3A_138 = arith.constant 0 : i32
    %dma_wait3A_139 = arith.constant 0 : i32
    %dma_wait3A_140 = tpu.memref_slice %arg5[%dma_wait3A_138, %dma_wait3A_139] : memref<32000x2048xf32, #tpu.memory_space<hbm>> -> memref<32000x2048xf32, #tpu.memory_space<hbm>>
    tpu.wait_indirect_dma semaphore(%arg19 : memref<!tpu.dma_semaphore, #tpu.memory_space<semaphore_mem>>) src(%dma_wait3A_140 : memref<32000x2048xf32, #tpu.memory_space<hbm>>) dst(%arg14 : memref<16x2048xf32, #tpu.memory_space<vmem>>)
    %dma_start3A_141 = arith.constant 0 : i32
    %dma_start3A_142 = arith.constant 0 : i32
    %dma_start3A_143 = tpu.memref_slice %arg7[%dma_start3A_141, %dma_start3A_142] : memref<8192x2048xf32, #tpu.memory_space<hbm>> -> memref<8192x2048xf32, #tpu.memory_space<hbm>>
    tpu.enqueue_indirect_dma source(%arg14 : memref<16x2048xf32, #tpu.memory_space<vmem>>) target(%dma_start3A_143 : memref<8192x2048xf32, #tpu.memory_space<hbm>>) offsets(%arg11 : memref<16xi32, #tpu.memory_space<vmem>>) semaphore(%arg22 : memref<!tpu.dma_semaphore, #tpu.memory_space<semaphore_mem>>)
    %dma_wait3A_144 = arith.constant 0 : i32
    %dma_wait3A_145 = arith.constant 0 : i32
    %dma_wait3A_146 = tpu.memref_slice %arg7[%dma_wait3A_144, %dma_wait3A_145] : memref<8192x2048xf32, #tpu.memory_space<hbm>> -> memref<8192x2048xf32, #tpu.memory_space<hbm>>
    tpu.wait_indirect_dma semaphore(%arg21 : memref<!tpu.dma_semaphore, #tpu.memory_space<semaphore_mem>>) src(%arg13 : memref<16x2048xf32, #tpu.memory_space<vmem>>) dst(%dma_wait3A_146 : memref<8192x2048xf32, #tpu.memory_space<hbm>>)
    %get3A_147 = arith.constant 64 : index
    %get3A_148 = tpu.vector_load %arg8[%get3A_147] {strides = array<i32>} : memref<256xi32, #tpu.memory_space<vmem>>, vector<16xi32>,
    %get3A_149 = vector.shape_cast %get3A_148 : vector<16xi32> to vector<16xi32>
    %swap3A_150 = arith.constant 0 : index
    %swap3A_151 = tpu.vector_load %arg10[%swap3A_150] {strides = array<i32>} : memref<16xi32, #tpu.memory_space<vmem>>, vector<16xi32>,
    %swap3A_152 = vector.shape_cast %swap3A_151 : vector<16xi32> to vector<16xi32>
    %swap3A_153 = vector.shape_cast %get3A_149 : vector<16xi32> to vector<16xi32>
    tpu.vector_store %arg10[%swap3A_150], %swap3A_153 {strides = array<i32>} : memref<16xi32, #tpu.memory_space<vmem>>, vector<16xi32>,
    %dma_start3A_154 = arith.constant 64 : i32
    %dma_start3A_155 = tpu.memref_slice %arg9[%dma_start3A_154] : memref<256xi32, #tpu.memory_space<vmem>> -> memref<16xi32, #tpu.memory_space<vmem>>
    %dma_start3A_156 = arith.constant 0 : i32
    %dma_start3A_157 = arith.constant 0 : i32
    %dma_start3A_158 = tpu.memref_slice %arg5[%dma_start3A_156, %dma_start3A_157] : memref<32000x2048xf32, #tpu.memory_space<hbm>> -> memref<32000x2048xf32, #tpu.memory_space<hbm>>
    tpu.enqueue_indirect_dma source(%dma_start3A_158 : memref<32000x2048xf32, #tpu.memory_space<hbm>>) target(%arg13 : memref<16x2048xf32, #tpu.memory_space<vmem>>) offsets(%dma_start3A_155 : memref<16xi32, #tpu.memory_space<vmem>>) semaphore(%arg18 : memref<!tpu.dma_semaphore, #tpu.memory_space<semaphore_mem>>)
    %dma_wait3A_159 = arith.constant 48 : i32
    %dma_wait3A_160 = tpu.memref_slice %arg9[%dma_wait3A_159] : memref<256xi32, #tpu.memory_space<vmem>> -> memref<16xi32, #tpu.memory_space<vmem>>
    %dma_wait3A_161 = arith.constant 0 : i32
    %dma_wait3A_162 = arith.constant 0 : i32
    %dma_wait3A_163 = tpu.memref_slice %arg5[%dma_wait3A_161, %dma_wait3A_162] : memref<32000x2048xf32, #tpu.memory_space<hbm>> -> memref<32000x2048xf32, #tpu.memory_space<hbm>>
    tpu.wait_indirect_dma semaphore(%arg20 : memref<!tpu.dma_semaphore, #tpu.memory_space<semaphore_mem>>) src(%dma_wait3A_163 : memref<32000x2048xf32, #tpu.memory_space<hbm>>) dst(%arg15 : memref<16x2048xf32, #tpu.memory_space<vmem>>)
    %dma_start3A_164 = arith.constant 0 : i32
    %dma_start3A_165 = arith.constant 0 : i32
    %dma_start3A_166 = tpu.memref_slice %arg7[%dma_start3A_164, %dma_start3A_165] : memref<8192x2048xf32, #tpu.memory_space<hbm>> -> memref<8192x2048xf32, #tpu.memory_space<hbm>>
    tpu.enqueue_indirect_dma source(%arg15 : memref<16x2048xf32, #tpu.memory_space<vmem>>) target(%dma_start3A_166 : memref<8192x2048xf32, #tpu.memory_space<hbm>>) offsets(%arg12 : memref<16xi32, #tpu.memory_space<vmem>>) semaphore(%arg23 : memref<!tpu.dma_semaphore, #tpu.memory_space<semaphore_mem>>)
    %dma_wait3A_167 = arith.constant 0 : i32
    %dma_wait3A_168 = arith.constant 0 : i32
    %dma_wait3A_169 = tpu.memref_slice %arg7[%dma_wait3A_167, %dma_wait3A_168] : memref<8192x2048xf32, #tpu.memory_space<hbm>> -> memref<8192x2048xf32, #tpu.memory_space<hbm>>
    tpu.wait_indirect_dma semaphore(%arg22 : memref<!tpu.dma_semaphore, #tpu.memory_space<semaphore_mem>>) src(%arg14 : memref<16x2048xf32, #tpu.memory_space<vmem>>) dst(%dma_wait3A_169 : memref<8192x2048xf32, #tpu.memory_space<hbm>>)
    %get3A_170 = arith.constant 80 : index
    %get3A_171 = tpu.vector_load %arg8[%get3A_170] {strides = array<i32>} : memref<256xi32, #tpu.memory_space<vmem>>, vector<16xi32>,
    %get3A_172 = vector.shape_cast %get3A_171 : vector<16xi32> to vector<16xi32>
    %swap3A_173 = arith.constant 0 : index
    %swap3A_174 = tpu.vector_load %arg11[%swap3A_173] {strides = array<i32>} : memref<16xi32, #tpu.memory_space<vmem>>, vector<16xi32>,
    %swap3A_175 = vector.shape_cast %swap3A_174 : vector<16xi32> to vector<16xi32>
    %swap3A_176 = vector.shape_cast %get3A_172 : vector<16xi32> to vector<16xi32>
    tpu.vector_store %arg11[%swap3A_173], %swap3A_176 {strides = array<i32>} : memref<16xi32, #tpu.memory_space<vmem>>, vector<16xi32>,
    %dma_start3A_177 = arith.constant 80 : i32
    %dma_start3A_178 = tpu.memref_slice %arg9[%dma_start3A_177] : memref<256xi32, #tpu.memory_space<vmem>> -> memref<16xi32, #tpu.memory_space<vmem>>
    %dma_start3A_179 = arith.constant 0 : i32
    %dma_start3A_180 = arith.constant 0 : i32
    %dma_start3A_181 = tpu.memref_slice %arg5[%dma_start3A_179, %dma_start3A_180] : memref<32000x2048xf32, #tpu.memory_space<hbm>> -> memref<32000x2048xf32, #tpu.memory_space<hbm>>
    tpu.enqueue_indirect_dma source(%dma_start3A_181 : memref<32000x2048xf32, #tpu.memory_space<hbm>>) target(%arg14 : memref<16x2048xf32, #tpu.memory_space<vmem>>) offsets(%dma_start3A_178 : memref<16xi32, #tpu.memory_space<vmem>>) semaphore(%arg19 : memref<!tpu.dma_semaphore, #tpu.memory_space<semaphore_mem>>)
    %dma_wait3A_182 = arith.constant 64 : i32
    %dma_wait3A_183 = tpu.memref_slice %arg9[%dma_wait3A_182] : memref<256xi32, #tpu.memory_space<vmem>> -> memref<16xi32, #tpu.memory_space<vmem>>
    %dma_wait3A_184 = arith.constant 0 : i32
    %dma_wait3A_185 = arith.constant 0 : i32
    %dma_wait3A_186 = tpu.memref_slice %arg5[%dma_wait3A_184, %dma_wait3A_185] : memref<32000x2048xf32, #tpu.memory_space<hbm>> -> memref<32000x2048xf32, #tpu.memory_space<hbm>>
    tpu.wait_indirect_dma semaphore(%arg18 : memref<!tpu.dma_semaphore, #tpu.memory_space<semaphore_mem>>) src(%dma_wait3A_186 : memref<32000x2048xf32, #tpu.memory_space<hbm>>) dst(%arg13 : memref<16x2048xf32, #tpu.memory_space<vmem>>)
    %dma_start3A_187 = arith.constant 0 : i32
    %dma_start3A_188 = arith.constant 0 : i32
    %dma_start3A_189 = tpu.memref_slice %arg7[%dma_start3A_187, %dma_start3A_188] : memref<8192x2048xf32, #tpu.memory_space<hbm>> -> memref<8192x2048xf32, #tpu.memory_space<hbm>>
    tpu.enqueue_indirect_dma source(%arg13 : memref<16x2048xf32, #tpu.memory_space<vmem>>) target(%dma_start3A_189 : memref<8192x2048xf32, #tpu.memory_space<hbm>>) offsets(%arg10 : memref<16xi32, #tpu.memory_space<vmem>>) semaphore(%arg21 : memref<!tpu.dma_semaphore, #tpu.memory_space<semaphore_mem>>)
    %dma_wait3A_190 = arith.constant 0 : i32
    %dma_wait3A_191 = arith.constant 0 : i32
    %dma_wait3A_192 = tpu.memref_slice %arg7[%dma_wait3A_190, %dma_wait3A_191] : memref<8192x2048xf32, #tpu.memory_space<hbm>> -> memref<8192x2048xf32, #tpu.memory_space<hbm>>
    tpu.wait_indirect_dma semaphore(%arg23 : memref<!tpu.dma_semaphore, #tpu.memory_space<semaphore_mem>>) src(%arg15 : memref<16x2048xf32, #tpu.memory_space<vmem>>) dst(%dma_wait3A_192 : memref<8192x2048xf32, #tpu.memory_space<hbm>>)
    %get3A_193 = arith.constant 96 : index
    %get3A_194 = tpu.vector_load %arg8[%get3A_193] {strides = array<i32>} : memref<256xi32, #tpu.memory_space<vmem>>, vector<16xi32>,
    %get3A_195 = vector.shape_cast %get3A_194 : vector<16xi32> to vector<16xi32>
    %swap3A_196 = arith.constant 0 : index
    %swap3A_197 = tpu.vector_load %arg12[%swap3A_196] {strides = array<i32>} : memref<16xi32, #tpu.memory_space<vmem>>, vector<16xi32>,
    %swap3A_198 = vector.shape_cast %swap3A_197 : vector<16xi32> to vector<16xi32>
    %swap3A_199 = vector.shape_cast %get3A_195 : vector<16xi32> to vector<16xi32>
    tpu.vector_store %arg12[%swap3A_196], %swap3A_199 {strides = array<i32>} : memref<16xi32, #tpu.memory_space<vmem>>, vector<16xi32>,
    %dma_start3A_200 = arith.constant 96 : i32
    %dma_start3A_201 = tpu.memref_slice %arg9[%dma_start3A_200] : memref<256xi32, #tpu.memory_space<vmem>> -> memref<16xi32, #tpu.memory_space<vmem>>
    %dma_start3A_202 = arith.constant 0 : i32
    %dma_start3A_203 = arith.constant 0 : i32
    %dma_start3A_204 = tpu.memref_slice %arg5[%dma_start3A_202, %dma_start3A_203] : memref<32000x2048xf32, #tpu.memory_space<hbm>> -> memref<32000x2048xf32, #tpu.memory_space<hbm>>
    tpu.enqueue_indirect_dma source(%dma_start3A_204 : memref<32000x2048xf32, #tpu.memory_space<hbm>>) target(%arg15 : memref<16x2048xf32, #tpu.memory_space<vmem>>) offsets(%dma_start3A_201 : memref<16xi32, #tpu.memory_space<vmem>>) semaphore(%arg20 : memref<!tpu.dma_semaphore, #tpu.memory_space<semaphore_mem>>)
    %dma_wait3A_205 = arith.constant 80 : i32
    %dma_wait3A_206 = tpu.memref_slice %arg9[%dma_wait3A_205] : memref<256xi32, #tpu.memory_space<vmem>> -> memref<16xi32, #tpu.memory_space<vmem>>
    %dma_wait3A_207 = arith.constant 0 : i32
    %dma_wait3A_208 = arith.constant 0 : i32
    %dma_wait3A_209 = tpu.memref_slice %arg5[%dma_wait3A_207, %dma_wait3A_208] : memref<32000x2048xf32, #tpu.memory_space<hbm>> -> memref<32000x2048xf32, #tpu.memory_space<hbm>>
    tpu.wait_indirect_dma semaphore(%arg19 : memref<!tpu.dma_semaphore, #tpu.memory_space<semaphore_mem>>) src(%dma_wait3A_209 : memref<32000x2048xf32, #tpu.memory_space<hbm>>) dst(%arg14 : memref<16x2048xf32, #tpu.memory_space<vmem>>)
    %dma_start3A_210 = arith.constant 0 : i32
    %dma_start3A_211 = arith.constant 0 : i32
    %dma_start3A_212 = tpu.memref_slice %arg7[%dma_start3A_210, %dma_start3A_211] : memref<8192x2048xf32, #tpu.memory_space<hbm>> -> memref<8192x2048xf32, #tpu.memory_space<hbm>>
    tpu.enqueue_indirect_dma source(%arg14 : memref<16x2048xf32, #tpu.memory_space<vmem>>) target(%dma_start3A_212 : memref<8192x2048xf32, #tpu.memory_space<hbm>>) offsets(%arg11 : memref<16xi32, #tpu.memory_space<vmem>>) semaphore(%arg22 : memref<!tpu.dma_semaphore, #tpu.memory_space<semaphore_mem>>)
    %dma_wait3A_213 = arith.constant 0 : i32
    %dma_wait3A_214 = arith.constant 0 : i32
    %dma_wait3A_215 = tpu.memref_slice %arg7[%dma_wait3A_213, %dma_wait3A_214] : memref<8192x2048xf32, #tpu.memory_space<hbm>> -> memref<8192x2048xf32, #tpu.memory_space<hbm>>
    tpu.wait_indirect_dma semaphore(%arg21 : memref<!tpu.dma_semaphore, #tpu.memory_space<semaphore_mem>>) src(%arg13 : memref<16x2048xf32, #tpu.memory_space<vmem>>) dst(%dma_wait3A_215 : memref<8192x2048xf32, #tpu.memory_space<hbm>>)
    %dma_wait3A_216 = arith.constant 112 : i32
    %dma_wait3A_217 = tpu.memref_slice %arg9[%dma_wait3A_216] : memref<256xi32, #tpu.memory_space<vmem>> -> memref<112xi32, #tpu.memory_space<vmem>>
    %dma_wait3A_218 = arith.constant 112 : i32
    %dma_wait3A_219 = tpu.memref_slice %arg8[%dma_wait3A_218] : memref<256xi32, #tpu.memory_space<vmem>> -> memref<112xi32, #tpu.memory_space<vmem>>
    %dma_wait3A_220 = arith.constant 0 : i32
    %dma_wait3A_221 = tpu.memref_slice %arg4[%dma_wait3A_220] : memref<8192xi32, #tpu.memory_space<hbm>> -> memref<8192xi32, #tpu.memory_space<hbm>>
    tpu.wait_indirect_dma semaphore(%arg17 : memref<!tpu.dma_semaphore, #tpu.memory_space<semaphore_mem>>) src(%dma_wait3A_221 : memref<8192xi32, #tpu.memory_space<hbm>>) dst(%dma_wait3A_217 : memref<112xi32, #tpu.memory_space<vmem>>)
    %get3A_222 = arith.constant 112 : index
    %get3A_223 = tpu.vector_load %arg8[%get3A_222] {strides = array<i32>} : memref<256xi32, #tpu.memory_space<vmem>>, vector<16xi32>,
    %get3A_224 = vector.shape_cast %get3A_223 : vector<16xi32> to vector<16xi32>
    %swap3A_225 = arith.constant 0 : index
    %swap3A_226 = tpu.vector_load %arg10[%swap3A_225] {strides = array<i32>} : memref<16xi32, #tpu.memory_space<vmem>>, vector<16xi32>,
    %swap3A_227 = vector.shape_cast %swap3A_226 : vector<16xi32> to vector<16xi32>
    %swap3A_228 = vector.shape_cast %get3A_224 : vector<16xi32> to vector<16xi32>
    tpu.vector_store %arg10[%swap3A_225], %swap3A_228 {strides = array<i32>} : memref<16xi32, #tpu.memory_space<vmem>>, vector<16xi32>,
    %dma_start3A_229 = arith.constant 112 : i32
    %dma_start3A_230 = tpu.memref_slice %arg9[%dma_start3A_229] : memref<256xi32, #tpu.memory_space<vmem>> -> memref<16xi32, #tpu.memory_space<vmem>>
    %dma_start3A_231 = arith.constant 0 : i32
    %dma_start3A_232 = arith.constant 0 : i32
    %dma_start3A_233 = tpu.memref_slice %arg5[%dma_start3A_231, %dma_start3A_232] : memref<32000x2048xf32, #tpu.memory_space<hbm>> -> memref<32000x2048xf32, #tpu.memory_space<hbm>>
    tpu.enqueue_indirect_dma source(%dma_start3A_233 : memref<32000x2048xf32, #tpu.memory_space<hbm>>) target(%arg13 : memref<16x2048xf32, #tpu.memory_space<vmem>>) offsets(%dma_start3A_230 : memref<16xi32, #tpu.memory_space<vmem>>) semaphore(%arg18 : memref<!tpu.dma_semaphore, #tpu.memory_space<semaphore_mem>>)
    %dma_wait3A_234 = arith.constant 96 : i32
    %dma_wait3A_235 = tpu.memref_slice %arg9[%dma_wait3A_234] : memref<256xi32, #tpu.memory_space<vmem>> -> memref<16xi32, #tpu.memory_space<vmem>>
    %dma_wait3A_236 = arith.constant 0 : i32
    %dma_wait3A_237 = arith.constant 0 : i32
    %dma_wait3A_238 = tpu.memref_slice %arg5[%dma_wait3A_236, %dma_wait3A_237] : memref<32000x2048xf32, #tpu.memory_space<hbm>> -> memref<32000x2048xf32, #tpu.memory_space<hbm>>
    tpu.wait_indirect_dma semaphore(%arg20 : memref<!tpu.dma_semaphore, #tpu.memory_space<semaphore_mem>>) src(%dma_wait3A_238 : memref<32000x2048xf32, #tpu.memory_space<hbm>>) dst(%arg15 : memref<16x2048xf32, #tpu.memory_space<vmem>>)
    %dma_start3A_239 = arith.constant 0 : i32
    %dma_start3A_240 = arith.constant 0 : i32
    %dma_start3A_241 = tpu.memref_slice %arg7[%dma_start3A_239, %dma_start3A_240] : memref<8192x2048xf32, #tpu.memory_space<hbm>> -> memref<8192x2048xf32, #tpu.memory_space<hbm>>
    tpu.enqueue_indirect_dma source(%arg15 : memref<16x2048xf32, #tpu.memory_space<vmem>>) target(%dma_start3A_241 : memref<8192x2048xf32, #tpu.memory_space<hbm>>) offsets(%arg12 : memref<16xi32, #tpu.memory_space<vmem>>) semaphore(%arg23 : memref<!tpu.dma_semaphore, #tpu.memory_space<semaphore_mem>>)
    %dma_wait3A_242 = arith.constant 0 : i32
    %dma_wait3A_243 = arith.constant 0 : i32
    %dma_wait3A_244 = tpu.memref_slice %arg7[%dma_wait3A_242, %dma_wait3A_243] : memref<8192x2048xf32, #tpu.memory_space<hbm>> -> memref<8192x2048xf32, #tpu.memory_space<hbm>>
    tpu.wait_indirect_dma semaphore(%arg22 : memref<!tpu.dma_semaphore, #tpu.memory_space<semaphore_mem>>) src(%arg14 : memref<16x2048xf32, #tpu.memory_space<vmem>>) dst(%dma_wait3A_244 : memref<8192x2048xf32, #tpu.memory_space<hbm>>)
    %get3A_245 = arith.constant 128 : index
    %get3A_246 = tpu.vector_load %arg8[%get3A_245] {strides = array<i32>} : memref<256xi32, #tpu.memory_space<vmem>>, vector<16xi32>,
    %get3A_247 = vector.shape_cast %get3A_246 : vector<16xi32> to vector<16xi32>
    %swap3A_248 = arith.constant 0 : index
    %swap3A_249 = tpu.vector_load %arg11[%swap3A_248] {strides = array<i32>} : memref<16xi32, #tpu.memory_space<vmem>>, vector<16xi32>,
    %swap3A_250 = vector.shape_cast %swap3A_249 : vector<16xi32> to vector<16xi32>
    %swap3A_251 = vector.shape_cast %get3A_247 : vector<16xi32> to vector<16xi32>
    tpu.vector_store %arg11[%swap3A_248], %swap3A_251 {strides = array<i32>} : memref<16xi32, #tpu.memory_space<vmem>>, vector<16xi32>,
    %dma_start3A_252 = arith.constant 128 : i32
    %dma_start3A_253 = tpu.memref_slice %arg9[%dma_start3A_252] : memref<256xi32, #tpu.memory_space<vmem>> -> memref<16xi32, #tpu.memory_space<vmem>>
    %dma_start3A_254 = arith.constant 0 : i32
    %dma_start3A_255 = arith.constant 0 : i32
    %dma_start3A_256 = tpu.memref_slice %arg5[%dma_start3A_254, %dma_start3A_255] : memref<32000x2048xf32, #tpu.memory_space<hbm>> -> memref<32000x2048xf32, #tpu.memory_space<hbm>>
    tpu.enqueue_indirect_dma source(%dma_start3A_256 : memref<32000x2048xf32, #tpu.memory_space<hbm>>) target(%arg14 : memref<16x2048xf32, #tpu.memory_space<vmem>>) offsets(%dma_start3A_253 : memref<16xi32, #tpu.memory_space<vmem>>) semaphore(%arg19 : memref<!tpu.dma_semaphore, #tpu.memory_space<semaphore_mem>>)
    %dma_wait3A_257 = arith.constant 112 : i32
    %dma_wait3A_258 = tpu.memref_slice %arg9[%dma_wait3A_257] : memref<256xi32, #tpu.memory_space<vmem>> -> memref<16xi32, #tpu.memory_space<vmem>>
    %dma_wait3A_259 = arith.constant 0 : i32
    %dma_wait3A_260 = arith.constant 0 : i32
    %dma_wait3A_261 = tpu.memref_slice %arg5[%dma_wait3A_259, %dma_wait3A_260] : memref<32000x2048xf32, #tpu.memory_space<hbm>> -> memref<32000x2048xf32, #tpu.memory_space<hbm>>
    tpu.wait_indirect_dma semaphore(%arg18 : memref<!tpu.dma_semaphore, #tpu.memory_space<semaphore_mem>>) src(%dma_wait3A_261 : memref<32000x2048xf32, #tpu.memory_space<hbm>>) dst(%arg13 : memref<16x2048xf32, #tpu.memory_space<vmem>>)
    %dma_start3A_262 = arith.constant 0 : i32
    %dma_start3A_263 = arith.constant 0 : i32
    %dma_start3A_264 = tpu.memref_slice %arg7[%dma_start3A_262, %dma_start3A_263] : memref<8192x2048xf32, #tpu.memory_space<hbm>> -> memref<8192x2048xf32, #tpu.memory_space<hbm>>
    tpu.enqueue_indirect_dma source(%arg13 : memref<16x2048xf32, #tpu.memory_space<vmem>>) target(%dma_start3A_264 : memref<8192x2048xf32, #tpu.memory_space<hbm>>) offsets(%arg10 : memref<16xi32, #tpu.memory_space<vmem>>) semaphore(%arg21 : memref<!tpu.dma_semaphore, #tpu.memory_space<semaphore_mem>>)
    %dma_wait3A_265 = arith.constant 0 : i32
    %dma_wait3A_266 = arith.constant 0 : i32
    %dma_wait3A_267 = tpu.memref_slice %arg7[%dma_wait3A_265, %dma_wait3A_266] : memref<8192x2048xf32, #tpu.memory_space<hbm>> -> memref<8192x2048xf32, #tpu.memory_space<hbm>>
    tpu.wait_indirect_dma semaphore(%arg23 : memref<!tpu.dma_semaphore, #tpu.memory_space<semaphore_mem>>) src(%arg15 : memref<16x2048xf32, #tpu.memory_space<vmem>>) dst(%dma_wait3A_267 : memref<8192x2048xf32, #tpu.memory_space<hbm>>)
    %get3A_268 = arith.constant 144 : index
    %get3A_269 = tpu.vector_load %arg8[%get3A_268] {strides = array<i32>} : memref<256xi32, #tpu.memory_space<vmem>>, vector<16xi32>,
    %get3A_270 = vector.shape_cast %get3A_269 : vector<16xi32> to vector<16xi32>
    %swap3A_271 = arith.constant 0 : index
    %swap3A_272 = tpu.vector_load %arg12[%swap3A_271] {strides = array<i32>} : memref<16xi32, #tpu.memory_space<vmem>>, vector<16xi32>,
    %swap3A_273 = vector.shape_cast %swap3A_272 : vector<16xi32> to vector<16xi32>
    %swap3A_274 = vector.shape_cast %get3A_270 : vector<16xi32> to vector<16xi32>
    tpu.vector_store %arg12[%swap3A_271], %swap3A_274 {strides = array<i32>} : memref<16xi32, #tpu.memory_space<vmem>>, vector<16xi32>,
    %dma_start3A_275 = arith.constant 144 : i32
    %dma_start3A_276 = tpu.memref_slice %arg9[%dma_start3A_275] : memref<256xi32, #tpu.memory_space<vmem>> -> memref<16xi32, #tpu.memory_space<vmem>>
    %dma_start3A_277 = arith.constant 0 : i32
    %dma_start3A_278 = arith.constant 0 : i32
    %dma_start3A_279 = tpu.memref_slice %arg5[%dma_start3A_277, %dma_start3A_278] : memref<32000x2048xf32, #tpu.memory_space<hbm>> -> memref<32000x2048xf32, #tpu.memory_space<hbm>>
    tpu.enqueue_indirect_dma source(%dma_start3A_279 : memref<32000x2048xf32, #tpu.memory_space<hbm>>) target(%arg15 : memref<16x2048xf32, #tpu.memory_space<vmem>>) offsets(%dma_start3A_276 : memref<16xi32, #tpu.memory_space<vmem>>) semaphore(%arg20 : memref<!tpu.dma_semaphore, #tpu.memory_space<semaphore_mem>>)
    %dma_wait3A_280 = arith.constant 128 : i32
    %dma_wait3A_281 = tpu.memref_slice %arg9[%dma_wait3A_280] : memref<256xi32, #tpu.memory_space<vmem>> -> memref<16xi32, #tpu.memory_space<vmem>>
    %dma_wait3A_282 = arith.constant 0 : i32
    %dma_wait3A_283 = arith.constant 0 : i32
    %dma_wait3A_284 = tpu.memref_slice %arg5[%dma_wait3A_282, %dma_wait3A_283] : memref<32000x2048xf32, #tpu.memory_space<hbm>> -> memref<32000x2048xf32, #tpu.memory_space<hbm>>
    tpu.wait_indirect_dma semaphore(%arg19 : memref<!tpu.dma_semaphore, #tpu.memory_space<semaphore_mem>>) src(%dma_wait3A_284 : memref<32000x2048xf32, #tpu.memory_space<hbm>>) dst(%arg14 : memref<16x2048xf32, #tpu.memory_space<vmem>>)
    %dma_start3A_285 = arith.constant 0 : i32
    %dma_start3A_286 = arith.constant 0 : i32
    %dma_start3A_287 = tpu.memref_slice %arg7[%dma_start3A_285, %dma_start3A_286] : memref<8192x2048xf32, #tpu.memory_space<hbm>> -> memref<8192x2048xf32, #tpu.memory_space<hbm>>
    tpu.enqueue_indirect_dma source(%arg14 : memref<16x2048xf32, #tpu.memory_space<vmem>>) target(%dma_start3A_287 : memref<8192x2048xf32, #tpu.memory_space<hbm>>) offsets(%arg11 : memref<16xi32, #tpu.memory_space<vmem>>) semaphore(%arg22 : memref<!tpu.dma_semaphore, #tpu.memory_space<semaphore_mem>>)
    %dma_wait3A_288 = arith.constant 0 : i32
    %dma_wait3A_289 = arith.constant 0 : i32
    %dma_wait3A_290 = tpu.memref_slice %arg7[%dma_wait3A_288, %dma_wait3A_289] : memref<8192x2048xf32, #tpu.memory_space<hbm>> -> memref<8192x2048xf32, #tpu.memory_space<hbm>>
    tpu.wait_indirect_dma semaphore(%arg21 : memref<!tpu.dma_semaphore, #tpu.memory_space<semaphore_mem>>) src(%arg13 : memref<16x2048xf32, #tpu.memory_space<vmem>>) dst(%dma_wait3A_290 : memref<8192x2048xf32, #tpu.memory_space<hbm>>)
    %get3A_291 = arith.constant 160 : index
    %get3A_292 = tpu.vector_load %arg8[%get3A_291] {strides = array<i32>} : memref<256xi32, #tpu.memory_space<vmem>>, vector<16xi32>,
    %get3A_293 = vector.shape_cast %get3A_292 : vector<16xi32> to vector<16xi32>
    %swap3A_294 = arith.constant 0 : index
    %swap3A_295 = tpu.vector_load %arg10[%swap3A_294] {strides = array<i32>} : memref<16xi32, #tpu.memory_space<vmem>>, vector<16xi32>,
    %swap3A_296 = vector.shape_cast %swap3A_295 : vector<16xi32> to vector<16xi32>
    %swap3A_297 = vector.shape_cast %get3A_293 : vector<16xi32> to vector<16xi32>
    tpu.vector_store %arg10[%swap3A_294], %swap3A_297 {strides = array<i32>} : memref<16xi32, #tpu.memory_space<vmem>>, vector<16xi32>,
    %dma_start3A_298 = arith.constant 160 : i32
    %dma_start3A_299 = tpu.memref_slice %arg9[%dma_start3A_298] : memref<256xi32, #tpu.memory_space<vmem>> -> memref<16xi32, #tpu.memory_space<vmem>>
    %dma_start3A_300 = arith.constant 0 : i32
    %dma_start3A_301 = arith.constant 0 : i32
    %dma_start3A_302 = tpu.memref_slice %arg5[%dma_start3A_300, %dma_start3A_301] : memref<32000x2048xf32, #tpu.memory_space<hbm>> -> memref<32000x2048xf32, #tpu.memory_space<hbm>>
    tpu.enqueue_indirect_dma source(%dma_start3A_302 : memref<32000x2048xf32, #tpu.memory_space<hbm>>) target(%arg13 : memref<16x2048xf32, #tpu.memory_space<vmem>>) offsets(%dma_start3A_299 : memref<16xi32, #tpu.memory_space<vmem>>) semaphore(%arg18 : memref<!tpu.dma_semaphore, #tpu.memory_space<semaphore_mem>>)
    %dma_wait3A_303 = arith.constant 144 : i32
    %dma_wait3A_304 = tpu.memref_slice %arg9[%dma_wait3A_303] : memref<256xi32, #tpu.memory_space<vmem>> -> memref<16xi32, #tpu.memory_space<vmem>>
    %dma_wait3A_305 = arith.constant 0 : i32
    %dma_wait3A_306 = arith.constant 0 : i32
    %dma_wait3A_307 = tpu.memref_slice %arg5[%dma_wait3A_305, %dma_wait3A_306] : memref<32000x2048xf32, #tpu.memory_space<hbm>> -> memref<32000x2048xf32, #tpu.memory_space<hbm>>
    tpu.wait_indirect_dma semaphore(%arg20 : memref<!tpu.dma_semaphore, #tpu.memory_space<semaphore_mem>>) src(%dma_wait3A_307 : memref<32000x2048xf32, #tpu.memory_space<hbm>>) dst(%arg15 : memref<16x2048xf32, #tpu.memory_space<vmem>>)
    %dma_start3A_308 = arith.constant 0 : i32
    %dma_start3A_309 = arith.constant 0 : i32
    %dma_start3A_310 = tpu.memref_slice %arg7[%dma_start3A_308, %dma_start3A_309] : memref<8192x2048xf32, #tpu.memory_space<hbm>> -> memref<8192x2048xf32, #tpu.memory_space<hbm>>
    tpu.enqueue_indirect_dma source(%arg15 : memref<16x2048xf32, #tpu.memory_space<vmem>>) target(%dma_start3A_310 : memref<8192x2048xf32, #tpu.memory_space<hbm>>) offsets(%arg12 : memref<16xi32, #tpu.memory_space<vmem>>) semaphore(%arg23 : memref<!tpu.dma_semaphore, #tpu.memory_space<semaphore_mem>>)
    %dma_wait3A_311 = arith.constant 0 : i32
    %dma_wait3A_312 = arith.constant 0 : i32
    %dma_wait3A_313 = tpu.memref_slice %arg7[%dma_wait3A_311, %dma_wait3A_312] : memref<8192x2048xf32, #tpu.memory_space<hbm>> -> memref<8192x2048xf32, #tpu.memory_space<hbm>>
    tpu.wait_indirect_dma semaphore(%arg22 : memref<!tpu.dma_semaphore, #tpu.memory_space<semaphore_mem>>) src(%arg14 : memref<16x2048xf32, #tpu.memory_space<vmem>>) dst(%dma_wait3A_313 : memref<8192x2048xf32, #tpu.memory_space<hbm>>)
    %get3A_314 = arith.constant 176 : index
    %get3A_315 = tpu.vector_load %arg8[%get3A_314] {strides = array<i32>} : memref<256xi32, #tpu.memory_space<vmem>>, vector<16xi32>,
    %get3A_316 = vector.shape_cast %get3A_315 : vector<16xi32> to vector<16xi32>
    %swap3A_317 = arith.constant 0 : index
    %swap3A_318 = tpu.vector_load %arg11[%swap3A_317] {strides = array<i32>} : memref<16xi32, #tpu.memory_space<vmem>>, vector<16xi32>,
    %swap3A_319 = vector.shape_cast %swap3A_318 : vector<16xi32> to vector<16xi32>
    %swap3A_320 = vector.shape_cast %get3A_316 : vector<16xi32> to vector<16xi32>
    tpu.vector_store %arg11[%swap3A_317], %swap3A_320 {strides = array<i32>} : memref<16xi32, #tpu.memory_space<vmem>>, vector<16xi32>,
    %dma_start3A_321 = arith.constant 176 : i32
    %dma_start3A_322 = tpu.memref_slice %arg9[%dma_start3A_321] : memref<256xi32, #tpu.memory_space<vmem>> -> memref<16xi32, #tpu.memory_space<vmem>>
    %dma_start3A_323 = arith.constant 0 : i32
    %dma_start3A_324 = arith.constant 0 : i32
    %dma_start3A_325 = tpu.memref_slice %arg5[%dma_start3A_323, %dma_start3A_324] : memref<32000x2048xf32, #tpu.memory_space<hbm>> -> memref<32000x2048xf32, #tpu.memory_space<hbm>>
    tpu.enqueue_indirect_dma source(%dma_start3A_325 : memref<32000x2048xf32, #tpu.memory_space<hbm>>) target(%arg14 : memref<16x2048xf32, #tpu.memory_space<vmem>>) offsets(%dma_start3A_322 : memref<16xi32, #tpu.memory_space<vmem>>) semaphore(%arg19 : memref<!tpu.dma_semaphore, #tpu.memory_space<semaphore_mem>>)
    %dma_wait3A_326 = arith.constant 160 : i32
    %dma_wait3A_327 = tpu.memref_slice %arg9[%dma_wait3A_326] : memref<256xi32, #tpu.memory_space<vmem>> -> memref<16xi32, #tpu.memory_space<vmem>>
    %dma_wait3A_328 = arith.constant 0 : i32
    %dma_wait3A_329 = arith.constant 0 : i32
    %dma_wait3A_330 = tpu.memref_slice %arg5[%dma_wait3A_328, %dma_wait3A_329] : memref<32000x2048xf32, #tpu.memory_space<hbm>> -> memref<32000x2048xf32, #tpu.memory_space<hbm>>
    tpu.wait_indirect_dma semaphore(%arg18 : memref<!tpu.dma_semaphore, #tpu.memory_space<semaphore_mem>>) src(%dma_wait3A_330 : memref<32000x2048xf32, #tpu.memory_space<hbm>>) dst(%arg13 : memref<16x2048xf32, #tpu.memory_space<vmem>>)
    %dma_start3A_331 = arith.constant 0 : i32
    %dma_start3A_332 = arith.constant 0 : i32
    %dma_start3A_333 = tpu.memref_slice %arg7[%dma_start3A_331, %dma_start3A_332] : memref<8192x2048xf32, #tpu.memory_space<hbm>> -> memref<8192x2048xf32, #tpu.memory_space<hbm>>
    tpu.enqueue_indirect_dma source(%arg13 : memref<16x2048xf32, #tpu.memory_space<vmem>>) target(%dma_start3A_333 : memref<8192x2048xf32, #tpu.memory_space<hbm>>) offsets(%arg10 : memref<16xi32, #tpu.memory_space<vmem>>) semaphore(%arg21 : memref<!tpu.dma_semaphore, #tpu.memory_space<semaphore_mem>>)
    %dma_wait3A_334 = arith.constant 0 : i32
    %dma_wait3A_335 = arith.constant 0 : i32
    %dma_wait3A_336 = tpu.memref_slice %arg7[%dma_wait3A_334, %dma_wait3A_335] : memref<8192x2048xf32, #tpu.memory_space<hbm>> -> memref<8192x2048xf32, #tpu.memory_space<hbm>>
    tpu.wait_indirect_dma semaphore(%arg23 : memref<!tpu.dma_semaphore, #tpu.memory_space<semaphore_mem>>) src(%arg15 : memref<16x2048xf32, #tpu.memory_space<vmem>>) dst(%dma_wait3A_336 : memref<8192x2048xf32, #tpu.memory_space<hbm>>)
    %get3A_337 = arith.constant 192 : index
    %get3A_338 = tpu.vector_load %arg8[%get3A_337] {strides = array<i32>} : memref<256xi32, #tpu.memory_space<vmem>>, vector<16xi32>,
    %get3A_339 = vector.shape_cast %get3A_338 : vector<16xi32> to vector<16xi32>
    %swap3A_340 = arith.constant 0 : index
    %swap3A_341 = tpu.vector_load %arg12[%swap3A_340] {strides = array<i32>} : memref<16xi32, #tpu.memory_space<vmem>>, vector<16xi32>,
    %swap3A_342 = vector.shape_cast %swap3A_341 : vector<16xi32> to vector<16xi32>
    %swap3A_343 = vector.shape_cast %get3A_339 : vector<16xi32> to vector<16xi32>
    tpu.vector_store %arg12[%swap3A_340], %swap3A_343 {strides = array<i32>} : memref<16xi32, #tpu.memory_space<vmem>>, vector<16xi32>,
    %dma_start3A_344 = arith.constant 192 : i32
    %dma_start3A_345 = tpu.memref_slice %arg9[%dma_start3A_344] : memref<256xi32, #tpu.memory_space<vmem>> -> memref<16xi32, #tpu.memory_space<vmem>>
    %dma_start3A_346 = arith.constant 0 : i32
    %dma_start3A_347 = arith.constant 0 : i32
    %dma_start3A_348 = tpu.memref_slice %arg5[%dma_start3A_346, %dma_start3A_347] : memref<32000x2048xf32, #tpu.memory_space<hbm>> -> memref<32000x2048xf32, #tpu.memory_space<hbm>>
    tpu.enqueue_indirect_dma source(%dma_start3A_348 : memref<32000x2048xf32, #tpu.memory_space<hbm>>) target(%arg15 : memref<16x2048xf32, #tpu.memory_space<vmem>>) offsets(%dma_start3A_345 : memref<16xi32, #tpu.memory_space<vmem>>) semaphore(%arg20 : memref<!tpu.dma_semaphore, #tpu.memory_space<semaphore_mem>>)
    %dma_wait3A_349 = arith.constant 176 : i32
    %dma_wait3A_350 = tpu.memref_slice %arg9[%dma_wait3A_349] : memref<256xi32, #tpu.memory_space<vmem>> -> memref<16xi32, #tpu.memory_space<vmem>>
    %dma_wait3A_351 = arith.constant 0 : i32
    %dma_wait3A_352 = arith.constant 0 : i32
    %dma_wait3A_353 = tpu.memref_slice %arg5[%dma_wait3A_351, %dma_wait3A_352] : memref<32000x2048xf32, #tpu.memory_space<hbm>> -> memref<32000x2048xf32, #tpu.memory_space<hbm>>
    tpu.wait_indirect_dma semaphore(%arg19 : memref<!tpu.dma_semaphore, #tpu.memory_space<semaphore_mem>>) src(%dma_wait3A_353 : memref<32000x2048xf32, #tpu.memory_space<hbm>>) dst(%arg14 : memref<16x2048xf32, #tpu.memory_space<vmem>>)
    %dma_start3A_354 = arith.constant 0 : i32
    %dma_start3A_355 = arith.constant 0 : i32
    %dma_start3A_356 = tpu.memref_slice %arg7[%dma_start3A_354, %dma_start3A_355] : memref<8192x2048xf32, #tpu.memory_space<hbm>> -> memref<8192x2048xf32, #tpu.memory_space<hbm>>
    tpu.enqueue_indirect_dma source(%arg14 : memref<16x2048xf32, #tpu.memory_space<vmem>>) target(%dma_start3A_356 : memref<8192x2048xf32, #tpu.memory_space<hbm>>) offsets(%arg11 : memref<16xi32, #tpu.memory_space<vmem>>) semaphore(%arg22 : memref<!tpu.dma_semaphore, #tpu.memory_space<semaphore_mem>>)
    %dma_wait3A_357 = arith.constant 0 : i32
    %dma_wait3A_358 = arith.constant 0 : i32
    %dma_wait3A_359 = tpu.memref_slice %arg7[%dma_wait3A_357, %dma_wait3A_358] : memref<8192x2048xf32, #tpu.memory_space<hbm>> -> memref<8192x2048xf32, #tpu.memory_space<hbm>>
    tpu.wait_indirect_dma semaphore(%arg21 : memref<!tpu.dma_semaphore, #tpu.memory_space<semaphore_mem>>) src(%arg13 : memref<16x2048xf32, #tpu.memory_space<vmem>>) dst(%dma_wait3A_359 : memref<8192x2048xf32, #tpu.memory_space<hbm>>)
    %get3A_360 = arith.constant 208 : index
    %get3A_361 = tpu.vector_load %arg8[%get3A_360] {strides = array<i32>} : memref<256xi32, #tpu.memory_space<vmem>>, vector<16xi32>,
    %get3A_362 = vector.shape_cast %get3A_361 : vector<16xi32> to vector<16xi32>
    %swap3A_363 = arith.constant 0 : index
    %swap3A_364 = tpu.vector_load %arg10[%swap3A_363] {strides = array<i32>} : memref<16xi32, #tpu.memory_space<vmem>>, vector<16xi32>,
    %swap3A_365 = vector.shape_cast %swap3A_364 : vector<16xi32> to vector<16xi32>
    %swap3A_366 = vector.shape_cast %get3A_362 : vector<16xi32> to vector<16xi32>
    tpu.vector_store %arg10[%swap3A_363], %swap3A_366 {strides = array<i32>} : memref<16xi32, #tpu.memory_space<vmem>>, vector<16xi32>,
    %dma_start3A_367 = arith.constant 208 : i32
    %dma_start3A_368 = tpu.memref_slice %arg9[%dma_start3A_367] : memref<256xi32, #tpu.memory_space<vmem>> -> memref<16xi32, #tpu.memory_space<vmem>>
    %dma_start3A_369 = arith.constant 0 : i32
    %dma_start3A_370 = arith.constant 0 : i32
    %dma_start3A_371 = tpu.memref_slice %arg5[%dma_start3A_369, %dma_start3A_370] : memref<32000x2048xf32, #tpu.memory_space<hbm>> -> memref<32000x2048xf32, #tpu.memory_space<hbm>>
    tpu.enqueue_indirect_dma source(%dma_start3A_371 : memref<32000x2048xf32, #tpu.memory_space<hbm>>) target(%arg13 : memref<16x2048xf32, #tpu.memory_space<vmem>>) offsets(%dma_start3A_368 : memref<16xi32, #tpu.memory_space<vmem>>) semaphore(%arg18 : memref<!tpu.dma_semaphore, #tpu.memory_space<semaphore_mem>>)
    %dma_wait3A_372 = arith.constant 192 : i32
    %dma_wait3A_373 = tpu.memref_slice %arg9[%dma_wait3A_372] : memref<256xi32, #tpu.memory_space<vmem>> -> memref<16xi32, #tpu.memory_space<vmem>>
    %dma_wait3A_374 = arith.constant 0 : i32
    %dma_wait3A_375 = arith.constant 0 : i32
    %dma_wait3A_376 = tpu.memref_slice %arg5[%dma_wait3A_374, %dma_wait3A_375] : memref<32000x2048xf32, #tpu.memory_space<hbm>> -> memref<32000x2048xf32, #tpu.memory_space<hbm>>
    tpu.wait_indirect_dma semaphore(%arg20 : memref<!tpu.dma_semaphore, #tpu.memory_space<semaphore_mem>>) src(%dma_wait3A_376 : memref<32000x2048xf32, #tpu.memory_space<hbm>>) dst(%arg15 : memref<16x2048xf32, #tpu.memory_space<vmem>>)
    %dma_start3A_377 = arith.constant 0 : i32
    %dma_start3A_378 = arith.constant 0 : i32
    %dma_start3A_379 = tpu.memref_slice %arg7[%dma_start3A_377, %dma_start3A_378] : memref<8192x2048xf32, #tpu.memory_space<hbm>> -> memref<8192x2048xf32, #tpu.memory_space<hbm>>
    tpu.enqueue_indirect_dma source(%arg15 : memref<16x2048xf32, #tpu.memory_space<vmem>>) target(%dma_start3A_379 : memref<8192x2048xf32, #tpu.memory_space<hbm>>) offsets(%arg12 : memref<16xi32, #tpu.memory_space<vmem>>) semaphore(%arg23 : memref<!tpu.dma_semaphore, #tpu.memory_space<semaphore_mem>>)
    %dma_wait3A_380 = arith.constant 208 : i32
    %dma_wait3A_381 = tpu.memref_slice %arg9[%dma_wait3A_380] : memref<256xi32, #tpu.memory_space<vmem>> -> memref<16xi32, #tpu.memory_space<vmem>>
    %dma_wait3A_382 = arith.constant 0 : i32
    %dma_wait3A_383 = arith.constant 0 : i32
    %dma_wait3A_384 = tpu.memref_slice %arg5[%dma_wait3A_382, %dma_wait3A_383] : memref<32000x2048xf32, #tpu.memory_space<hbm>> -> memref<32000x2048xf32, #tpu.memory_space<hbm>>
    tpu.wait_indirect_dma semaphore(%arg18 : memref<!tpu.dma_semaphore, #tpu.memory_space<semaphore_mem>>) src(%dma_wait3A_384 : memref<32000x2048xf32, #tpu.memory_space<hbm>>) dst(%arg13 : memref<16x2048xf32, #tpu.memory_space<vmem>>)
    %dma_start3A_385 = arith.constant 0 : i32
    %dma_start3A_386 = arith.constant 0 : i32
    %dma_start3A_387 = tpu.memref_slice %arg7[%dma_start3A_385, %dma_start3A_386] : memref<8192x2048xf32, #tpu.memory_space<hbm>> -> memref<8192x2048xf32, #tpu.memory_space<hbm>>
    tpu.enqueue_indirect_dma source(%arg13 : memref<16x2048xf32, #tpu.memory_space<vmem>>) target(%dma_start3A_387 : memref<8192x2048xf32, #tpu.memory_space<hbm>>) offsets(%arg10 : memref<16xi32, #tpu.memory_space<vmem>>) semaphore(%arg21 : memref<!tpu.dma_semaphore, #tpu.memory_space<semaphore_mem>>)
    %dma_wait3A_388 = arith.constant 0 : i32
    %dma_wait3A_389 = arith.constant 0 : i32
    %dma_wait3A_390 = tpu.memref_slice %arg7[%dma_wait3A_388, %dma_wait3A_389] : memref<8192x2048xf32, #tpu.memory_space<hbm>> -> memref<8192x2048xf32, #tpu.memory_space<hbm>>
    tpu.wait_indirect_dma semaphore(%arg22 : memref<!tpu.dma_semaphore, #tpu.memory_space<semaphore_mem>>) src(%arg14 : memref<16x2048xf32, #tpu.memory_space<vmem>>) dst(%dma_wait3A_390 : memref<8192x2048xf32, #tpu.memory_space<hbm>>)
    %dma_wait3A_391 = arith.constant 0 : i32
    %dma_wait3A_392 = arith.constant 0 : i32
    %dma_wait3A_393 = tpu.memref_slice %arg7[%dma_wait3A_391, %dma_wait3A_392] : memref<8192x2048xf32, #tpu.memory_space<hbm>> -> memref<8192x2048xf32, #tpu.memory_space<hbm>>
    tpu.wait_indirect_dma semaphore(%arg23 : memref<!tpu.dma_semaphore, #tpu.memory_space<semaphore_mem>>) src(%arg15 : memref<16x2048xf32, #tpu.memory_space<vmem>>) dst(%dma_wait3A_393 : memref<8192x2048xf32, #tpu.memory_space<hbm>>)
    %dma_wait3A_394 = arith.constant 0 : i32
    %dma_wait3A_395 = arith.constant 0 : i32
    %dma_wait3A_396 = tpu.memref_slice %arg7[%dma_wait3A_394, %dma_wait3A_395] : memref<8192x2048xf32, #tpu.memory_space<hbm>> -> memref<8192x2048xf32, #tpu.memory_space<hbm>>
    tpu.wait_indirect_dma semaphore(%arg21 : memref<!tpu.dma_semaphore, #tpu.memory_space<semaphore_mem>>) src(%arg13 : memref<16x2048xf32, #tpu.memory_space<vmem>>) dst(%dma_wait3A_396 : memref<8192x2048xf32, #tpu.memory_space<hbm>>)
    return
  }
}

</mosaic_0001>

<sc_bundles>
// kernel: _run.3.cloned.1.call-start
scs
__scs_entry_jumppad:
0x0: {  	(pc) =	sbr.rel $0x88, $3  }
0x1: {  	(tag) =	ssettag $0x0;
	lr =	simm.s32 $0x1  }
0x2: {  	[smem:$0x3F9C] =	sst lr;
	_ =	strace $0xD0000000  }
0x3: {  	_ = 	snop  }
0x4: {  	_ = 	snop  }
0x5: {  	_ = 	snop  }
0x6: {  	_ = 	snop  }
0x7: {  	_ = 	snop  }
__scs_overlays_trampoline_lowered:
0x8: {  	[smem:$0x3FAB] =	sst s0  }
0x9: {  	[smem:$0x3FAC] =	sst s1  }
0xa: {  	[smem:$0x3FAD] =	sst s2  }
0xb: {  	[smem:$0x3FAE] =	sst s3  }
0xc: {  	[smem:$0x3FAF] =	sst s4  }
0xd: {  	[smem:$0x3FB0] =	sst s5  }
0xe: {  	[smem:$0x3FB1] =	sst s6  }
0xf: {  	[smem:$0x3FB2] =	sst s7  }
0x10: {  	[smem:$0x3FB3] =	sst s8  }
0x11: {  	[smem:$0x3FB4] =	sst s9;
	s0 =	simm.s32 @!p0 $0x0  }
0x12: {  	s1 =	sld [smem:$0x3F9A];
	s0 =	simm.s32 @p0 $0x1  }
0x13: {  	[smem:$0x3FB5] =	sst s0;
	s0 =	simm.s32 @!p1 $0x0  }
0x14: {  	s2 =	sld [smem:$0x3F99];
	s0 =	simm.s32 @p1 $0x1  }
0x15: {  	[smem:$0x3FB6] =	sst s0;
	s0 =	simm.s32 @!p2 $0x0  }
0x16: {  	s3 =	sld [smem:$0x3FDB];
	s0 =	simm.s32 @p2 $0x1  }
0x17: {  	s4 =	simm.s32 $0x1BF5;
	[smem:$0x3FB8] =	sst s0  }
0x18: {  	s0 =	sld [smem:$0x3F9B];
	_ =	swait.ge [sflag:s4], $0x0  }
0x19: {  	s7 =	sld [smem:$0x3F9C]  }
0x1a: {  	s8 =	sadd.s32 $0xFFFFE003, lr  }
0x1b: {  	s9 =	sadd.s32 $0xFFFFFEF7, lr;
	s5 =	simm.s32 $0xFFFFFFFF;
	p2 =	slt.u32 s8, $0xFFFFF086  }
0x1c: {  	p1 =	slt.u32 s9, $0xF7A;
	s5 =	simm.s32 @!p2 $0x0  }
0x1d: {  	s5 =	simm.s32 @p1 $0x1;
	p0 =	seq.s32 s7, s2  }
0x1e: {  	s7 =	smul.u32 @!p0 $0xF7A, s2;
	p2 =	seq.s32 @!p0 s5, $0x0  }
0x1f: {  	s9 =	smul.u32 $0xF7A, s1;
	s8 =	simm.s32 @!p0 $0x1BF5;
	p2 =	por !p2, p0  }
0x20: {  	[sflag:s8] =	ssyncset.s32 @!p0 $0xFFFFF086;
	s6 =	sadd.s32 @!p0 s3, s7;
	s7 =	simm.s32 @!p0 $0x108  }
0x21: {  	s3 =	sadd.s32 s3, s9;
	s6 =	sadd.s32 @!p0 $0x88, s6;
	s7 =	simm.s32 @p2 $0x1082  }
0x22: {  	[simem:s7], [sflag:s8] =	dma.local @!p0 [hbm:s6], $0xF7A  }
0x23: {  	s9 =	sor.u32 $0xD0000000, s2;
	s6 =	simm.s32 $0x108;
	_ =	swait.ge @!p0 [sflag:s8], $0x0  }
0x24: {  	s3 =	sadd.s32 $0x88, s3;
	s6 =	simm.s32 @!p1 $0x1082;
	[sflag:s4] =	ssyncset.s32 $0xFFFFF086  }
0x25: {  	[simem:s6], [sflag:s4] =	dma.local [hbm:s3], $0xF7A  }
0x26: {  	[smem:$0x3F9C] =	sst s1;
	(tag) =	ssettag s2;
	_ =	strace s9  }
0x27: {  	s1 =	sld [smem:$0x3FAC]  }
0x28: {  	s2 =	sld [smem:$0x3FAD]  }
0x29: {  	s4 =	sld [smem:$0x3FAF]  }
0x2a: {  	p0 =	seq.s32 s5, $0x0;
	s5 =	sld [smem:$0x3FB0]  }
0x2b: {  	s6 =	sld [smem:$0x3FB1]  }
0x2c: {  	s7 =	sld [smem:$0x3FB2]  }
0x2d: {  	s3 =	simm.s32 $0x108;
	s8 =	sld [smem:$0x3FB3]  }
0x2e: {  	s3 =	simm.s32 @!p0 $0x1082;
	s9 =	sld [smem:$0x3FB4]  }
0x2f: {  	lr =	sadd.s32 s0, s3;
	s0 =	sld [smem:$0x3FAB]  }
0x30: {  	s3 =	sld [smem:$0x3FAE]  }
0x31: {  	[smem:$0x3FB7] =	sst s10  }
0x32: {  	s10 =	sld [smem:$0x3FB5];
	_ =	sdelay $0x3  }
0x33: {  	p0 =	seq.s32 s10, $0x1;
	s10 =	sld [smem:$0x3FB7];
	_ =	sdelay $0x3  }
0x34: {  	[smem:$0x3FB7] =	sst s10  }
0x35: {  	s10 =	sld [smem:$0x3FB6];
	_ =	sdelay $0x3  }
0x36: {  	p1 =	seq.s32 s10, $0x1;
	s10 =	sld [smem:$0x3FB7];
	_ =	sdelay $0x3  }
0x37: {  	[smem:$0x3FB7] =	sst s10  }
0x38: {  	s10 =	sld [smem:$0x3FB8]  }
0x39: {  	_ = 	snop;
	(pc) =	sbr.ind lr, $3  }
0x3a: {  	_ = 	snop  }
0x3b: {  	_ = 	snop  }
0x3c: {  	p2 =	seq.s32 s10, $0x1;
	s10 =	sld [smem:$0x3FB7]  }
0x3d: {  	_ =	shalt  }
0x3e: {  	_ =	shalt  }
0x3f: {  	_ =	shalt  }
0x40: {  	_ =	shalt  }
0x41: {  	_ =	shalt  }
0x42: {  	_ =	shalt  }
0x43: {  	_ =	shalt  }
0x44: {  	_ =	shalt  }
0x45: {  	_ =	shalt  }
0x46: {  	_ =	shalt  }
0x47: {  	_ =	shalt  }
0x48: {  	_ =	shalt  }
0x49: {  	_ =	shalt  }
0x4a: {  	_ =	shalt  }
0x4b: {  	_ =	shalt  }
0x4c: {  	_ =	shalt  }
0x4d: {  	_ =	shalt  }
0x4e: {  	_ =	shalt  }
0x4f: {  	_ =	shalt  }
0x50: {  	_ =	shalt  }
0x51: {  	_ =	shalt  }
0x52: {  	_ =	shalt  }
0x53: {  	_ =	shalt  }
0x54: {  	_ =	shalt  }
0x55: {  	_ =	shalt  }
0x56: {  	_ =	shalt  }
0x57: {  	_ =	shalt  }
0x58: {  	_ =	shalt  }
0x59: {  	_ =	shalt  }
0x5a: {  	_ =	shalt  }
0x5b: {  	_ =	shalt  }
0x5c: {  	_ =	shalt  }
0x5d: {  	_ =	shalt  }
0x5e: {  	_ =	shalt  }
0x5f: {  	_ =	shalt  }
0x60: {  	_ =	shalt  }
0x61: {  	_ =	shalt  }
0x62: {  	_ =	shalt  }
0x63: {  	_ =	shalt  }
0x64: {  	_ =	shalt  }
0x65: {  	_ =	shalt  }
0x66: {  	_ =	shalt  }
0x67: {  	_ =	shalt  }
0x68: {  	_ =	shalt  }
0x69: {  	_ =	shalt  }
0x6a: {  	_ =	shalt  }
0x6b: {  	_ =	shalt  }
0x6c: {  	_ =	shalt  }
0x6d: {  	_ =	shalt  }
0x6e: {  	_ =	shalt  }
0x6f: {  	_ =	shalt  }
0x70: {  	_ =	shalt  }
0x71: {  	_ =	shalt  }
0x72: {  	_ =	shalt  }
0x73: {  	_ =	shalt  }
0x74: {  	_ =	shalt  }
0x75: {  	_ =	shalt  }
0x76: {  	_ =	shalt  }
0x77: {  	_ =	shalt  }
0x78: {  	_ =	shalt  }
0x79: {  	_ =	shalt  }
0x7a: {  	_ =	shalt  }
0x7b: {  	_ =	shalt  }
0x7c: {  	_ =	shalt  }
0x7d: {  	_ =	shalt  }
0x7e: {  	_ =	shalt  }
0x7f: {  	_ =	shalt  }
0x80: {  	_ =	shalt  }
0x81: {  	_ =	shalt  }
0x82: {  	_ =	shalt  }
0x83: {  	_ =	shalt  }
0x84: {  	_ =	shalt  }
0x85: {  	_ =	shalt  }
0x86: {  	_ =	shalt  }
0x87: {  	_ =	shalt  }
.Lfunc_end0:
.L_simem_size_0:
called_computation_lowered:
.L_overlay_start_0:
0x88: {  	s2 =	sld [smem:$0x3FD9]  }
0x89: {  	s3 =	sld [smem:$0x3FFE];
	_ =	sdelay $0x1  }
0x8a: {  	s1 =	srdreg.scid  }
0x8b: {  	s0 =	sand.u32 $0x1, s1  }
0x8c: {  	s18 =	sshll.u32 s0, $0xA;
	s2 =	sadd.s32 s3, s2  }
0x8d: {  	s2 =	sadd.s32 s2, s18  }
0x8e: {  	[smem:$0x3FC3] =	sst s2  }
0x8f: {  	_ = 	snop  }
0x90: {  	s2 =	sld [smem:$0x3FC9]  }
0x91: {  	s19 =	sld [smem:$0x3FC8]  }
0x92: {  	s4 =	sld [smem:$0x3FC7]  }
0x93: {  	s5 =	sld [smem:$0x3FC6]  }
0x94: {  	s6 =	sld [smem:$0x3FC5]  }
0x95: {  	s7 =	sld [smem:$0x3FD0];
	(tm) =	ssettm $0x1  }
0x96: {  	s8 =	sld [smem:$0x3FFB];
	_ =	sdelay $0x3  }
0x97: {  	_ =	strace s8  }
0x98: {  	s8 =	sld [smem:$0x3FFC];
	_ =	sdelay $0x3  }
0x99: {  	_ =	strace s8  }
0x9a: {  	s8 =	sld [smem:$0x3FFD];
	_ =	sdelay $0x3  }
0x9b: {  	_ =	strace s8  }
0x9c: {  	_ =	strace $0x8FFFFFFF  }
0x9d: {  	s20 =	sld [smem:$0x3FDB];
	_ =	sdelay $0x1  }
0x9e: {  	s9 =	simm.s32 $_scs_section_size  }
0x9f: {  	s10 =	simm.s32 $_size__tile_overlayer_lowered;
	s11 =	simm.s32 $_tile_overlayer_lowered  }
0xa0: {  	s23 =	simm.s32 $0x1BFF;
	s22 =	sshll.u32 s11, $0x1;
	s8 =	sadd.s32 s9, s20  }
0xa1: {  	s12 =	simm.s32 $0x0;
	s21 =	sshll.u32 s10, $0x1;
	s10 =	sadd.s32 s22, s8  }
0xa2: {  	[timem:s12], [sflag:s23] =	dma.local [hbm:s10], s21  }
0xa3: {  	_ =	swait.ge [sflag:s23], s21  }
0xa4: {  	s9 =	ssub.s32 $0x0, s21;
	[sflag:s23] =	ssyncset.done $0x0  }
0xa5: {  	[sflag:s23] =	ssyncadd.s32 s9;
	_ =	sdelay $0x1  }
0xa6: {  	s24 =	simm.s32 $0x1B8B  }
0xa7: {  	_ =	swait.ge [sflag:s24], $0x1  }
0xa8: {  	[sflag:s24] =	ssyncset.done $0x0  }
0xa9: {  	s25 =	simm.s32 $0x1B8E;
	[sflag:s24] =	ssyncadd.s32 $0xFFFFFFFF  }
0xaa: {  	s26 =	simm.s32 $execute0_lowered;
	[smem:$0x3FD2] =	sst s25  }
0xab: {  	s9 =	sshll.u32 s26, $0x1;
	_ =	strace $0x80000046;
	[dreg:$0x1] =	wrdreg $0xFFFFFFFF  }
0xac: {  	s28 =	simm.s32 $_size_execute0_lowered;
	s8 =	sadd.s32 s8, s9;
	[dreg:$0x0] =	wrdreg $0x0  }
0xad: {  	s9 =	sshll.u32 s28, $0x1;
	[dreg:$0x2] =	wrdreg s8  }
0xae: {  	[dreg:$0x3] =	wrdreg s9  }
0xaf: {  	[dreg:$0x4] =	wrdreg $0xC0  }
0xb0: {  	_ =	task [dreg:s12], $0x5FFFF  }
0xb1: {  	[dreg:$0x1] =	wrdreg $0xFFFFFFFF  }
0xb2: {  	[dreg:$0x0] =	wrdreg $0x60  }
0xb3: {  	[dreg:$0x2] =	wrdreg s2  }
0xb4: {  	[dreg:$0x3] =	wrdreg s19  }
0xb5: {  	[dreg:$0x4] =	wrdreg s4  }
0xb6: {  	[dreg:$0x5] =	wrdreg s5  }
0xb7: {  	[dreg:$0x6] =	wrdreg s6  }
0xb8: {  	[dreg:$0x7] =	wrdreg s7  }
0xb9: {  	[dreg:$0x8] =	wrdreg $0x9  }
0xba: {  	_ =	task.clear_ibuf [dreg:s12], $0x9FFFF;
	_ =	strace $0x90000046  }
0xbb: {  	s29 =	simm.s32 $0x9;
	_ =	strace $0x80000048  }
0xbc: {  	_ =	swait.ge [sflag:s29], $0x1  }
0xbd: {  	[sflag:s29] =	ssyncadd.s32 $0xFFFFFFFF  }
0xbe: {  	_ =	strace $0x90000048  }
0xbf: {  	_ =	sfence  }
0xc0: {  	s30 =	sld [smem:$0x0];
	_ =	sdelay $0x2  }
0xc1: {  	s31 =	sshll.u32 s1, $0xD;
	s1 =	sshrl.u32 s1, $0x2  }
0xc2: {  	s3 =	sand.u32 $0x4000, s31;
	s1 =	sadd.s32 s1, s30  }
0xc3: {  	s0 =	sor.u32 s3, s0;
	s1 =	sshll.u32 s1, $0x11  }
0xc4: {  	s0 =	sor.u32 s1, s0  }
0xc5: {  	s0 =	sadd.s32 $0x8F2B, s0  }
0xc6: {  	[sflag:s0] =	ssyncadd.remote.s32 $0x1  }
0xc7: {  	_ =	sfence.sel $0xFFFF  }
0xc8: {  	[dreg:$0x0] =	wrdreg $0xFFFFFFFF;
	(pc) =	sbr.abs _section_cstart, $3  }
0xc9: {  	[dreg:$0x1] =	wrdreg $0xFFFFFFFF  }
0xca: {  	_ =	task.clear_ibuf [dreg:s12], $0x2FFFF;
	_ =	strace $0x9FFFFFFF  }
0xcb: {  	(tm) =	ssettm $0x7FFFFFFF  }
tec
execute0_lowered:
.L_overlay_start_1:
0x0: {  	(tag) =	ssettag $0x1  }
0x1: {  	s0 =	rddreg [dreg:$0x0]  }
0x2: {  	s1 =	rddreg [dreg:$0x1]  }
0x3: {  	s2 =	rddreg [dreg:$0x3]  }
0x4: {  	s3 =	rddreg [dreg:$0x4]  }
0x5: {  	s5 =	srdreg.scid;
	s7 =	stileid.u32  }
0x6: {  	s4 =	rddreg [dreg:$0x5];
	s29 =	simm.s32 $0x100;
	s30 =	simm.s32 $0x170  }
0x7: {  	s31 =	simm.s32 $0xE0;
	s6 =	sand.u32 $0x1, s5;
	s7 =	sshll.u32 s7, $0x1  }
0x8: {  	s5 =	simm.s32 $0x0;
	s9 =	sadd.s32 $0x300, s4;
	s10 =	sadd.s32 $0x400, s4  }
0x9: {  	s11 =	sadd.s32 $0x500, s4;
	s12 =	sadd.s32 $0x600, s4;
	s13 =	sadd.s32 $0x700, s4  }
0xa: {  	s14 =	sadd.s32 $0x100, s2;
	s15 =	sadd.s32 $0x200, s2;
	s16 =	sadd.s32 $0x300, s2  }
0xb: {  	s17 =	sadd.s32 $0x400, s2;
	s18 =	sadd.s32 $0x500, s2;
	s19 =	sadd.s32 $0x600, s2  }
0xc: {  	s20 =	sadd.s32 $0x700, s2;
	s7 =	sor.u32 s6, s7;
	[smem:$0x7FF] =	sst s5  }
0xd: {  	s6 =	ssub.s32 $0x2, s6;
	_ =	strace $0x80000047;
	[dreg:$0xa] =	wrdreg s29  }
0xe: {  	s8 =	smul.u32 $0x1C, s7;
	s24 =	sshll.u32 s7, $0x2;
	[dreg:$0xb] =	wrdreg s30  }
0xf: {  	s7 =	sshll.u32 s7, $0xD;
	[dreg:$0xc] =	wrdreg s31;
	s25 =	sadd.s32 s1, s24  }
0x10: {  	s26 =	sshrl.u32 s6, $0x1;
	s3 =	sadd.s32 s3, s7;
	[dreg:$0x8] =	wrdreg s25  }
0x11: {  	v2 =	vlaneseq.u32;
	s1 =	ssub.s32 s6, s26;
	s0 =	sadd.s32 s0, s8;
	[dreg:$0xd] =	wrdreg s3  }
0x12: {  	vm0 =	vmmov $0xffff;
	v1 =	vshrl.u32 v2, $0x3;
	s7 =	sadd.s32 $0x100, s4;
	s28 =	sadd.s32 $0x1000, s3;
	[dreg:$0x7] =	wrdreg s0  }
0x13: {  	v0 =	vand.u32 $0x7, v2;
	v2 =	vor.u32 $0x8, v2;
	v1 =	vmul.u32 $0x8, v1;
	s8 =	sadd.s32 $0x200, s4;
	s21 =	smax.u32 s1, $0x1;
	[dreg:$0x9] =	wrdreg s28  }
.LBB2_1:
0x14: {  	[dreg:$0xe] =	wrdreg s21  }
0x15: {  	s22 =	rddreg [dreg:$0x7];
	s30 =	simm.s32 $0x9  }
0x16: {  	[tilespmem:s5], [sflag:$0x9] =	stream.linear.gather [hbm4b:s22+s5], $0xE0, $0x38;
	[tilespmem:$0x18380] =	vst v63  }
0x17: {  	_ =	swait.ge [sflag:s30], $0xE0  }
0x18: {  	s6 =	rddreg [dreg:$0xa];
	[sflag:s30] =	ssyncset.done $0x0  }
0x19: {  	s21 =	rddreg [dreg:$0xb];
	[sflag:s30] =	ssyncadd.s32 $0xFFFFFF20  }
0x1a: {  	s31 =	simm.s32 $0x70;
	s29 =	rddreg [dreg:$0x2]  }
0x1b: {  	[tilespmem:s6], [sflag:$0x1] =	stream.indirect.gather [hbm4b:s29+s31], $0x1, s5, s31, $0xb8;
	[tilespmem:$0x18380] =	vst v63  }
0x1c: {  	s25 =	rddreg [dreg:$0x8]  }
0x1d: {  	[tilespmem:s21], [sflag:$0x2] =	stream.indirect.gather [hbm4b:s29+s31], $0x1, s31, s31, $0xb8;
	[tilespmem:$0x18380] =	vst v63  }
0x1e: {  	s28 =	rddreg [dreg:$0xc]  }
0x1f: {  	[tilespmem:s28], [sflag:$0x9] =	stream.linear.gather [hbm4b:s25+s5], $0x20, $0x38;
	[tilespmem:$0x18380] =	vst v63  }
0x20: {  	_ =	swait.ge [sflag:s30], $0x20  }
0x21: {  	[sflag:s30] =	ssyncset.done $0x0  }
0x22: {  	[sflag:s30] =	ssyncadd.s32 $0xFFFFFFE0  }
0x23: {  	v3 =	vld [tilespmem:$0xE0];
	_ =	sdelay $0x4  }
0x24: {  	s0 =	simm.s32 $0x380;
	s23 =	rddreg [dreg:$0xd];
	[tilespmem:$0x200] =	vst v3  }
0x25: {  	[tilespmem:s0], [sflag:$0x3] =	stream.linear.gather [hbm4b:s23+s5], $0x8000, $0x38;
	[tilespmem:$0x18380] =	vst v63  }
0x26: {  	v3 =	vld [tilespmem:$0xF0];
	_ =	sdelay $0x4  }
0x27: {  	s1 =	simm.s32 $0x8380;
	s26 =	simm.s32 $0x3;
	s25 =	rddreg [dreg:$0x9];
	[tilespmem:$0x280] =	vst v3  }
0x28: {  	[tilespmem:s1], [sflag:$0x4] =	stream.linear.gather [hbm4b:s25+s5], $0x8000, $0x38;
	[tilespmem:$0x18380] =	vst v63  }
0x29: {  	_ =	swait.ge [sflag:s26], $0x8000  }
0x2a: {  	[sflag:s26] =	ssyncset.done $0x0  }
0x2b: {  	[sflag:s26] =	ssyncadd.s32 $0xFFFF8000  }
0x2c: {  	v3 =	vld [tilespmem:$0x200];
	_ =	sdelay $0x4  }
0x2d: {  	v4 =	vshll.u32 v3, $0x4  }
0x2e: {  	v3 =	vand.u32 $0x7, v3;
	v4 =	vand.u32 $0xFFFFFF80, v4  }
0x2f: {  	v3 =	vor.u32 v3, v4  }
0x30: {  	v4 =	vperm.xlane v3, v0;
	_ =	sdelay $0x1  }
0x31: {  	v4 =	vadd.s32 v1, v4;
	_ =	sdelay $0x3  }
0x32: {  	s24 =	simm.s32 $0x380;
	s2 =	rddreg [dreg:$0x5]  }
0x33: {  	[hbm4b:s2+s5] =	stream.indirect_vreg.scatter [tilespmem:s24], [sflag:$0x6], $0x80, v4, vm0, $0xb8;
	[tilespmem:$0x18380] =	vst v63  }
0x34: {  	s28 =	simm.s32 $0xB80  }
0x35: {  	[hbm4b:s7+s5] =	stream.indirect_vreg.scatter [tilespmem:s28], [sflag:$0x6], $0x80, v4, vm0, $0xb8;
	[tilespmem:$0x18380] =	vst v63  }
0x36: {  	s29 =	simm.s32 $0x1380  }
0x37: {  	[hbm4b:s8+s5] =	stream.indirect_vreg.scatter [tilespmem:s29], [sflag:$0x6], $0x80, v4, vm0, $0xb8;
	[tilespmem:$0x18380] =	vst v63  }
0x38: {  	s30 =	simm.s32 $0x1B80  }
0x39: {  	[hbm4b:s9+s5] =	stream.indirect_vreg.scatter [tilespmem:s30], [sflag:$0x6], $0x80, v4, vm0, $0xb8;
	[tilespmem:$0x18380] =	vst v63  }
0x3a: {  	s31 =	simm.s32 $0x2380  }
0x3b: {  	[hbm4b:s10+s5] =	stream.indirect_vreg.scatter [tilespmem:s31], [sflag:$0x6], $0x80, v4, vm0, $0xb8;
	[tilespmem:$0x18380] =	vst v63  }
0x3c: {  	s1 =	simm.s32 $0x2B80;
	v3 =	vperm.xlane v3, v2  }
0x3d: {  	[hbm4b:s11+s5] =	stream.indirect_vreg.scatter [tilespmem:s1], [sflag:$0x6], $0x80, v4, vm0, $0xb8;
	[tilespmem:$0x18380] =	vst v63  }
0x3e: {  	s4 =	simm.s32 $0x3380;
	v3 =	vadd.s32 v1, v3  }
0x3f: {  	[hbm4b:s12+s5] =	stream.indirect_vreg.scatter [tilespmem:s4], [sflag:$0x6], $0x80, v4, vm0, $0xb8;
	[tilespmem:$0x18380] =	vst v63  }
0x40: {  	s23 =	simm.s32 $0x3B80  }
0x41: {  	[hbm4b:s13+s5] =	stream.indirect_vreg.scatter [tilespmem:s23], [sflag:$0x6], $0x80, v4, vm0, $0xb8;
	[tilespmem:$0x18380] =	vst v63  }
0x42: {  	s24 =	simm.s32 $0x4380  }
0x43: {  	[hbm4b:s2+s5] =	stream.indirect_vreg.scatter [tilespmem:s24], [sflag:$0x6], $0x80, v3, vm0, $0xb8;
	[tilespmem:$0x18380] =	vst v63  }
0x44: {  	s25 =	simm.s32 $0x4B80  }
0x45: {  	[hbm4b:s7+s5] =	stream.indirect_vreg.scatter [tilespmem:s25], [sflag:$0x6], $0x80, v3, vm0, $0xb8;
	[tilespmem:$0x18380] =	vst v63  }
0x46: {  	s28 =	simm.s32 $0x5380  }
0x47: {  	[hbm4b:s8+s5] =	stream.indirect_vreg.scatter [tilespmem:s28], [sflag:$0x6], $0x80, v3, vm0, $0xb8;
	[tilespmem:$0x18380] =	vst v63  }
0x48: {  	s29 =	simm.s32 $0x5B80  }
0x49: {  	[hbm4b:s9+s5] =	stream.indirect_vreg.scatter [tilespmem:s29], [sflag:$0x6], $0x80, v3, vm0, $0xb8;
	[tilespmem:$0x18380] =	vst v63  }
0x4a: {  	s30 =	simm.s32 $0x6380  }
0x4b: {  	[hbm4b:s10+s5] =	stream.indirect_vreg.scatter [tilespmem:s30], [sflag:$0x6], $0x80, v3, vm0, $0xb8;
	[tilespmem:$0x18380] =	vst v63  }
0x4c: {  	s31 =	simm.s32 $0x6B80  }
0x4d: {  	[hbm4b:s11+s5] =	stream.indirect_vreg.scatter [tilespmem:s31], [sflag:$0x6], $0x80, v3, vm0, $0xb8;
	[tilespmem:$0x18380] =	vst v63  }
0x4e: {  	s4 =	simm.s32 $0x7380  }
0x4f: {  	[hbm4b:s12+s5] =	stream.indirect_vreg.scatter [tilespmem:s4], [sflag:$0x6], $0x80, v3, vm0, $0xb8;
	[tilespmem:$0x18380] =	vst v63  }
0x50: {  	s23 =	simm.s32 $0x7B80;
	s24 =	simm.s32 $0x1  }
0x51: {  	[hbm4b:s13+s5] =	stream.indirect_vreg.scatter [tilespmem:s23], [sflag:$0x6], $0x80, v3, vm0, $0xb8;
	[tilespmem:$0x18380] =	vst v63  }
0x52: {  	_ =	swait.ge [sflag:s24], $0x70  }
0x53: {  	[sflag:s24] =	ssyncset.done $0x0  }
0x54: {  	[sflag:s24] =	ssyncadd.s32 $0xFFFFFF90  }
0x55: {  	v3 =	vld [tilespmem:$0x100];
	_ =	sdelay $0x4  }
0x56: {  	v22 =	vshll.u32 v3, $0x4  }
0x57: {  	v3 =	vand.u32 $0x7, v3;
	v4 =	vand.u32 $0xFFFFFF80, v22  }
0x58: {  	v3 =	vor.u32 v3, v4  }
0x59: {  	v4 =	vperm.xlane v3, v0  }
0x5a: {  	v5 =	vld [tilespmem:$0x0]  }
0x5b: {  	v4 =	vadd.s32 v1, v4;
	_ =	sdelay $0x3  }
0x5c: {  	s24 =	simm.s32 $0x10380;
	s4 =	rddreg [dreg:$0x3];
	[tilespmem:$0x300] =	vst v5  }
0x5d: {  	[tilespmem:s24], [sflag:$0x5] =	stream.indirect_vreg.gather [hbm4b:s4+s5], $0x80, v4, vm0, $0xb8;
	[tilespmem:$0x18380] =	vst v63  }
0x5e: {  	s25 =	simm.s32 $0x10B80  }
0x5f: {  	[tilespmem:s25], [sflag:$0x5] =	stream.indirect_vreg.gather [hbm4b:s14+s5], $0x80, v4, vm0, $0xb8;
	[tilespmem:$0x18380] =	vst v63  }
0x60: {  	s30 =	simm.s32 $0x11380  }
0x61: {  	[tilespmem:s30], [sflag:$0x5] =	stream.indirect_vreg.gather [hbm4b:s15+s5], $0x80, v4, vm0, $0xb8;
	[tilespmem:$0x18380] =	vst v63  }
0x62: {  	s23 =	simm.s32 $0x11B80  }
0x63: {  	[tilespmem:s23], [sflag:$0x5] =	stream.indirect_vreg.gather [hbm4b:s16+s5], $0x80, v4, vm0, $0xb8;
	[tilespmem:$0x18380] =	vst v63  }
0x64: {  	s24 =	simm.s32 $0x12380  }
0x65: {  	[tilespmem:s24], [sflag:$0x5] =	stream.indirect_vreg.gather [hbm4b:s17+s5], $0x80, v4, vm0, $0xb8;
	[tilespmem:$0x18380] =	vst v63  }
0x66: {  	v3 =	vperm.xlane v3, v2;
	s25 =	simm.s32 $0x12B80  }
0x67: {  	[tilespmem:s25], [sflag:$0x5] =	stream.indirect_vreg.gather [hbm4b:s18+s5], $0x80, v4, vm0, $0xb8;
	[tilespmem:$0x18380] =	vst v63  }
0x68: {  	v3 =	vadd.s32 v1, v3;
	s30 =	simm.s32 $0x13380  }
0x69: {  	[tilespmem:s30], [sflag:$0x5] =	stream.indirect_vreg.gather [hbm4b:s19+s5], $0x80, v4, vm0, $0xb8;
	[tilespmem:$0x18380] =	vst v63  }
0x6a: {  	s24 =	simm.s32 $0x13B80  }
0x6b: {  	[tilespmem:s24], [sflag:$0x5] =	stream.indirect_vreg.gather [hbm4b:s20+s5], $0x80, v4, vm0, $0xb8;
	[tilespmem:$0x18380] =	vst v63  }
0x6c: {  	s30 =	simm.s32 $0x14380  }
0x6d: {  	[tilespmem:s30], [sflag:$0x5] =	stream.indirect_vreg.gather [hbm4b:s4+s5], $0x80, v3, vm0, $0xb8;
	[tilespmem:$0x18380] =	vst v63  }
0x6e: {  	s24 =	simm.s32 $0x14B80  }
0x6f: {  	[tilespmem:s24], [sflag:$0x5] =	stream.indirect_vreg.gather [hbm4b:s14+s5], $0x80, v3, vm0, $0xb8;
	[tilespmem:$0x18380] =	vst v63  }
0x70: {  	s24 =	simm.s32 $0x15380  }
0x71: {  	[tilespmem:s24], [sflag:$0x5] =	stream.indirect_vreg.gather [hbm4b:s15+s5], $0x80, v3, vm0, $0xb8;
	[tilespmem:$0x18380] =	vst v63  }
0x72: {  	s24 =	simm.s32 $0x15B80  }
0x73: {  	[tilespmem:s24], [sflag:$0x5] =	stream.indirect_vreg.gather [hbm4b:s16+s5], $0x80, v3, vm0, $0xb8;
	[tilespmem:$0x18380] =	vst v63  }
0x74: {  	s24 =	simm.s32 $0x16380  }
0x75: {  	[tilespmem:s24], [sflag:$0x5] =	stream.indirect_vreg.gather [hbm4b:s17+s5], $0x80, v3, vm0, $0xb8;
	[tilespmem:$0x18380] =	vst v63  }
0x76: {  	s24 =	simm.s32 $0x16B80  }
0x77: {  	[tilespmem:s24], [sflag:$0x5] =	stream.indirect_vreg.gather [hbm4b:s18+s5], $0x80, v3, vm0, $0xb8;
	[tilespmem:$0x18380] =	vst v63  }
0x78: {  	s24 =	simm.s32 $0x17380  }
0x79: {  	[tilespmem:s24], [sflag:$0x5] =	stream.indirect_vreg.gather [hbm4b:s19+s5], $0x80, v3, vm0, $0xb8;
	[tilespmem:$0x18380] =	vst v63  }
0x7a: {  	s24 =	simm.s32 $0x17B80  }
0x7b: {  	[tilespmem:s24], [sflag:$0x5] =	stream.indirect_vreg.gather [hbm4b:s20+s5], $0x80, v3, vm0, $0xb8;
	[tilespmem:$0x18380] =	vst v63  }
0x7c: {  	s24 =	simm.s32 $0x4  }
0x7d: {  	_ =	swait.ge [sflag:s24], $0x8000  }
0x7e: {  	[sflag:s24] =	ssyncset.done $0x0  }
0x7f: {  	[sflag:s24] =	ssyncadd.s32 $0xFFFF8000  }
0x80: {  	v3 =	vld [tilespmem:$0x280];
	_ =	sdelay $0x4  }
0x81: {  	v23 =	vshll.u32 v3, $0x4  }
0x82: {  	v3 =	vand.u32 $0x7, v3;
	v4 =	vand.u32 $0xFFFFFF80, v23  }
0x83: {  	v3 =	vor.u32 v3, v4  }
0x84: {  	v4 =	vperm.xlane v3, v0;
	_ =	sdelay $0x1  }
0x85: {  	v4 =	vadd.s32 v1, v4;
	_ =	sdelay $0x3  }
0x86: {  	s3 =	simm.s32 $0x8380  }
0x87: {  	[hbm4b:s2+s5] =	stream.indirect_vreg.scatter [tilespmem:s3], [sflag:$0x7], $0x80, v4, vm0, $0xb8;
	[tilespmem:$0x18380] =	vst v63  }
0x88: {  	s24 =	simm.s32 $0x8B80  }
0x89: {  	[hbm4b:s7+s5] =	stream.indirect_vreg.scatter [tilespmem:s24], [sflag:$0x7], $0x80, v4, vm0, $0xb8;
	[tilespmem:$0x18380] =	vst v63  }
0x8a: {  	s3 =	simm.s32 $0x9380  }
0x8b: {  	[hbm4b:s8+s5] =	stream.indirect_vreg.scatter [tilespmem:s3], [sflag:$0x7], $0x80, v4, vm0, $0xb8;
	[tilespmem:$0x18380] =	vst v63  }
0x8c: {  	s24 =	simm.s32 $0x9B80  }
0x8d: {  	[hbm4b:s9+s5] =	stream.indirect_vreg.scatter [tilespmem:s24], [sflag:$0x7], $0x80, v4, vm0, $0xb8;
	[tilespmem:$0x18380] =	vst v63  }
0x8e: {  	s3 =	simm.s32 $0xA380  }
0x8f: {  	[hbm4b:s10+s5] =	stream.indirect_vreg.scatter [tilespmem:s3], [sflag:$0x7], $0x80, v4, vm0, $0xb8;
	[tilespmem:$0x18380] =	vst v63  }
0x90: {  	v3 =	vperm.xlane v3, v2;
	s24 =	simm.s32 $0xAB80  }
0x91: {  	[hbm4b:s11+s5] =	stream.indirect_vreg.scatter [tilespmem:s24], [sflag:$0x7], $0x80, v4, vm0, $0xb8;
	[tilespmem:$0x18380] =	vst v63  }
0x92: {  	v3 =	vadd.s32 v1, v3;
	s3 =	simm.s32 $0xB380  }
0x93: {  	[hbm4b:s12+s5] =	stream.indirect_vreg.scatter [tilespmem:s3], [sflag:$0x7], $0x80, v4, vm0, $0xb8;
	[tilespmem:$0x18380] =	vst v63  }
0x94: {  	s24 =	simm.s32 $0xBB80  }
0x95: {  	[hbm4b:s13+s5] =	stream.indirect_vreg.scatter [tilespmem:s24], [sflag:$0x7], $0x80, v4, vm0, $0xb8;
	[tilespmem:$0x18380] =	vst v63  }
0x96: {  	s3 =	simm.s32 $0xC380  }
0x97: {  	[hbm4b:s2+s5] =	stream.indirect_vreg.scatter [tilespmem:s3], [sflag:$0x7], $0x80, v3, vm0, $0xb8;
	[tilespmem:$0x18380] =	vst v63  }
0x98: {  	s24 =	simm.s32 $0xCB80  }
0x99: {  	[hbm4b:s7+s5] =	stream.indirect_vreg.scatter [tilespmem:s24], [sflag:$0x7], $0x80, v3, vm0, $0xb8;
	[tilespmem:$0x18380] =	vst v63  }
0x9a: {  	s3 =	simm.s32 $0xD380  }
0x9b: {  	[hbm4b:s8+s5] =	stream.indirect_vreg.scatter [tilespmem:s3], [sflag:$0x7], $0x80, v3, vm0, $0xb8;
	[tilespmem:$0x18380] =	vst v63  }
0x9c: {  	s24 =	simm.s32 $0xDB80  }
0x9d: {  	[hbm4b:s9+s5] =	stream.indirect_vreg.scatter [tilespmem:s24], [sflag:$0x7], $0x80, v3, vm0, $0xb8;
	[tilespmem:$0x18380] =	vst v63  }
0x9e: {  	s3 =	simm.s32 $0xE380  }
0x9f: {  	[hbm4b:s10+s5] =	stream.indirect_vreg.scatter [tilespmem:s3], [sflag:$0x7], $0x80, v3, vm0, $0xb8;
	[tilespmem:$0x18380] =	vst v63  }
0xa0: {  	s24 =	simm.s32 $0xEB80  }
0xa1: {  	[hbm4b:s11+s5] =	stream.indirect_vreg.scatter [tilespmem:s24], [sflag:$0x7], $0x80, v3, vm0, $0xb8;
	[tilespmem:$0x18380] =	vst v63  }
0xa2: {  	s3 =	simm.s32 $0xF380  }
0xa3: {  	[hbm4b:s12+s5] =	stream.indirect_vreg.scatter [tilespmem:s3], [sflag:$0x7], $0x80, v3, vm0, $0xb8;
	[tilespmem:$0x18380] =	vst v63  }
0xa4: {  	s24 =	simm.s32 $0xFB80;
	s3 =	simm.s32 $0x6  }
0xa5: {  	[hbm4b:s13+s5] =	stream.indirect_vreg.scatter [tilespmem:s24], [sflag:$0x7], $0x80, v3, vm0, $0xb8;
	[tilespmem:$0x18380] =	vst v63  }
0xa6: {  	_ =	swait.ge [sflag:s3], $0x8000  }
0xa7: {  	[sflag:s3] =	ssyncset.done $0x0  }
0xa8: {  	[sflag:s3] =	ssyncadd.s32 $0xFFFF8000  }
0xa9: {  	v3 =	vld [tilespmem:$0x110];
	_ =	sdelay $0x4  }
0xaa: {  	v24 =	vshll.u32 v3, $0x4  }
0xab: {  	v3 =	vand.u32 $0x7, v3;
	v4 =	vand.u32 $0xFFFFFF80, v24  }
0xac: {  	v3 =	vor.u32 v3, v4  }
0xad: {  	v4 =	vperm.xlane v3, v0  }
0xae: {  	v25 =	vld [tilespmem:$0x10]  }
0xaf: {  	v4 =	vadd.s32 v1, v4;
	_ =	sdelay $0x3  }
0xb0: {  	s26 =	simm.s32 $0x380;
	[tilespmem:$0x200] =	vst v25  }
0xb1: {  	[tilespmem:s26], [sflag:$0x3] =	stream.indirect_vreg.gather [hbm4b:s4+s5], $0x80, v4, vm0, $0xb8;
	[tilespmem:$0x18380] =	vst v63  }
0xb2: {  	s24 =	simm.s32 $0xB80  }
0xb3: {  	[tilespmem:s24], [sflag:$0x3] =	stream.indirect_vreg.gather [hbm4b:s14+s5], $0x80, v4, vm0, $0xb8;
	[tilespmem:$0x18380] =	vst v63  }
0xb4: {  	s26 =	simm.s32 $0x1380  }
0xb5: {  	[tilespmem:s26], [sflag:$0x3] =	stream.indirect_vreg.gather [hbm4b:s15+s5], $0x80, v4, vm0, $0xb8;
	[tilespmem:$0x18380] =	vst v63  }
0xb6: {  	s6 =	simm.s32 $0x1B80  }
0xb7: {  	[tilespmem:s6], [sflag:$0x3] =	stream.indirect_vreg.gather [hbm4b:s16+s5], $0x80, v4, vm0, $0xb8;
	[tilespmem:$0x18380] =	vst v63  }
0xb8: {  	s21 =	simm.s32 $0x2380  }
0xb9: {  	[tilespmem:s21], [sflag:$0x3] =	stream.indirect_vreg.gather [hbm4b:s17+s5], $0x80, v4, vm0, $0xb8;
	[tilespmem:$0x18380] =	vst v63  }
0xba: {  	s22 =	simm.s32 $0x2B80;
	v3 =	vperm.xlane v3, v2  }
0xbb: {  	[tilespmem:s22], [sflag:$0x3] =	stream.indirect_vreg.gather [hbm4b:s18+s5], $0x80, v4, vm0, $0xb8;
	[tilespmem:$0x18380] =	vst v63  }
0xbc: {  	v3 =	vadd.s32 v1, v3;
	s26 =	simm.s32 $0x3380  }
0xbd: {  	[tilespmem:s26], [sflag:$0x3] =	stream.indirect_vreg.gather [hbm4b:s19+s5], $0x80, v4, vm0, $0xb8;
	[tilespmem:$0x18380] =	vst v63  }
0xbe: {  	s24 =	simm.s32 $0x3B80  }
0xbf: {  	[tilespmem:s24], [sflag:$0x3] =	stream.indirect_vreg.gather [hbm4b:s20+s5], $0x80, v4, vm0, $0xb8;
	[tilespmem:$0x18380] =	vst v63  }
0xc0: {  	s22 =	simm.s32 $0x4380  }
0xc1: {  	[tilespmem:s22], [sflag:$0x3] =	stream.indirect_vreg.gather [hbm4b:s4+s5], $0x80, v3, vm0, $0xb8;
	[tilespmem:$0x18380] =	vst v63  }
0xc2: {  	s1 =	simm.s32 $0x4B80  }
0xc3: {  	[tilespmem:s1], [sflag:$0x3] =	stream.indirect_vreg.gather [hbm4b:s14+s5], $0x80, v3, vm0, $0xb8;
	[tilespmem:$0x18380] =	vst v63  }
0xc4: {  	s0 =	simm.s32 $0x5380  }
0xc5: {  	[tilespmem:s0], [sflag:$0x3] =	stream.indirect_vreg.gather [hbm4b:s15+s5], $0x80, v3, vm0, $0xb8;
	[tilespmem:$0x18380] =	vst v63  }
0xc6: {  	s6 =	simm.s32 $0x5B80  }
0xc7: {  	[tilespmem:s6], [sflag:$0x3] =	stream.indirect_vreg.gather [hbm4b:s16+s5], $0x80, v3, vm0, $0xb8;
	[tilespmem:$0x18380] =	vst v63  }
0xc8: {  	s21 =	simm.s32 $0x6380  }
0xc9: {  	[tilespmem:s21], [sflag:$0x3] =	stream.indirect_vreg.gather [hbm4b:s17+s5], $0x80, v3, vm0, $0xb8;
	[tilespmem:$0x18380] =	vst v63  }
0xca: {  	s28 =	simm.s32 $0x6B80  }
0xcb: {  	[tilespmem:s28], [sflag:$0x3] =	stream.indirect_vreg.gather [hbm4b:s18+s5], $0x80, v3, vm0, $0xb8;
	[tilespmem:$0x18380] =	vst v63  }
0xcc: {  	s1 =	simm.s32 $0x7380  }
0xcd: {  	[tilespmem:s1], [sflag:$0x3] =	stream.indirect_vreg.gather [hbm4b:s19+s5], $0x80, v3, vm0, $0xb8;
	[tilespmem:$0x18380] =	vst v63  }
0xce: {  	s3 =	simm.s32 $0x5;
	s28 =	simm.s32 $0x7B80  }
0xcf: {  	[tilespmem:s28], [sflag:$0x3] =	stream.indirect_vreg.gather [hbm4b:s20+s5], $0x80, v3, vm0, $0xb8;
	[tilespmem:$0x18380] =	vst v63  }
0xd0: {  	_ =	swait.ge [sflag:s3], $0x8000  }
0xd1: {  	[sflag:s3] =	ssyncset.done $0x0  }
0xd2: {  	[sflag:s3] =	ssyncadd.s32 $0xFFFF8000  }
0xd3: {  	v3 =	vld [tilespmem:$0x300];
	_ =	sdelay $0x4  }
0xd4: {  	v26 =	vshll.u32 v3, $0x4  }
0xd5: {  	v3 =	vand.u32 $0x7, v3;
	v4 =	vand.u32 $0xFFFFFF80, v26  }
0xd6: {  	v3 =	vor.u32 v3, v4  }
0xd7: {  	v4 =	vperm.xlane v3, v0;
	_ =	sdelay $0x1  }
0xd8: {  	v4 =	vadd.s32 v1, v4;
	_ =	sdelay $0x3  }
0xd9: {  	s29 =	simm.s32 $0x10380  }
0xda: {  	[hbm4b:s2+s5] =	stream.indirect_vreg.scatter [tilespmem:s29], [sflag:$0x8], $0x80, v4, vm0, $0xb8;
	[tilespmem:$0x18380] =	vst v63  }
0xdb: {  	s31 =	simm.s32 $0x10B80  }
0xdc: {  	[hbm4b:s7+s5] =	stream.indirect_vreg.scatter [tilespmem:s31], [sflag:$0x8], $0x80, v4, vm0, $0xb8;
	[tilespmem:$0x18380] =	vst v63  }
0xdd: {  	s31 =	simm.s32 $0x11380  }
0xde: {  	[hbm4b:s8+s5] =	stream.indirect_vreg.scatter [tilespmem:s31], [sflag:$0x8], $0x80, v4, vm0, $0xb8;
	[tilespmem:$0x18380] =	vst v63  }
0xdf: {  	s28 =	simm.s32 $0x11B80  }
0xe0: {  	[hbm4b:s9+s5] =	stream.indirect_vreg.scatter [tilespmem:s28], [sflag:$0x8], $0x80, v4, vm0, $0xb8;
	[tilespmem:$0x18380] =	vst v63  }
0xe1: {  	s23 =	simm.s32 $0x12380  }
0xe2: {  	[hbm4b:s10+s5] =	stream.indirect_vreg.scatter [tilespmem:s23], [sflag:$0x8], $0x80, v4, vm0, $0xb8;
	[tilespmem:$0x18380] =	vst v63  }
0xe3: {  	s25 =	simm.s32 $0x12B80;
	v3 =	vperm.xlane v3, v2  }
0xe4: {  	[hbm4b:s11+s5] =	stream.indirect_vreg.scatter [tilespmem:s25], [sflag:$0x8], $0x80, v4, vm0, $0xb8;
	[tilespmem:$0x18380] =	vst v63  }
0xe5: {  	v3 =	vadd.s32 v1, v3;
	s29 =	simm.s32 $0x13380  }
0xe6: {  	[hbm4b:s12+s5] =	stream.indirect_vreg.scatter [tilespmem:s29], [sflag:$0x8], $0x80, v4, vm0, $0xb8;
	[tilespmem:$0x18380] =	vst v63  }
0xe7: {  	s31 =	simm.s32 $0x13B80  }
0xe8: {  	[hbm4b:s13+s5] =	stream.indirect_vreg.scatter [tilespmem:s31], [sflag:$0x8], $0x80, v4, vm0, $0xb8;
	[tilespmem:$0x18380] =	vst v63  }
0xe9: {  	s30 =	simm.s32 $0x14380  }
0xea: {  	[hbm4b:s2+s5] =	stream.indirect_vreg.scatter [tilespmem:s30], [sflag:$0x8], $0x80, v3, vm0, $0xb8;
	[tilespmem:$0x18380] =	vst v63  }
0xeb: {  	s23 =	simm.s32 $0x14B80  }
0xec: {  	[hbm4b:s7+s5] =	stream.indirect_vreg.scatter [tilespmem:s23], [sflag:$0x8], $0x80, v3, vm0, $0xb8;
	[tilespmem:$0x18380] =	vst v63  }
0xed: {  	s25 =	simm.s32 $0x15380  }
0xee: {  	[hbm4b:s8+s5] =	stream.indirect_vreg.scatter [tilespmem:s25], [sflag:$0x8], $0x80, v3, vm0, $0xb8;
	[tilespmem:$0x18380] =	vst v63  }
0xef: {  	s28 =	simm.s32 $0x15B80  }
0xf0: {  	[hbm4b:s9+s5] =	stream.indirect_vreg.scatter [tilespmem:s28], [sflag:$0x8], $0x80, v3, vm0, $0xb8;
	[tilespmem:$0x18380] =	vst v63  }
0xf1: {  	s29 =	simm.s32 $0x16380  }
0xf2: {  	[hbm4b:s10+s5] =	stream.indirect_vreg.scatter [tilespmem:s29], [sflag:$0x8], $0x80, v3, vm0, $0xb8;
	[tilespmem:$0x18380] =	vst v63  }
0xf3: {  	s30 =	simm.s32 $0x16B80  }
0xf4: {  	[hbm4b:s11+s5] =	stream.indirect_vreg.scatter [tilespmem:s30], [sflag:$0x8], $0x80, v3, vm0, $0xb8;
	[tilespmem:$0x18380] =	vst v63  }
0xf5: {  	s31 =	simm.s32 $0x17380  }
0xf6: {  	[hbm4b:s12+s5] =	stream.indirect_vreg.scatter [tilespmem:s31], [sflag:$0x8], $0x80, v3, vm0, $0xb8;
	[tilespmem:$0x18380] =	vst v63  }
0xf7: {  	s23 =	simm.s32 $0x17B80;
	s25 =	simm.s32 $0x7  }
0xf8: {  	[hbm4b:s13+s5] =	stream.indirect_vreg.scatter [tilespmem:s23], [sflag:$0x8], $0x80, v3, vm0, $0xb8;
	[tilespmem:$0x18380] =	vst v63  }
0xf9: {  	_ =	swait.ge [sflag:s25], $0x8000  }
0xfa: {  	[sflag:s25] =	ssyncset.done $0x0  }
0xfb: {  	[sflag:s25] =	ssyncadd.s32 $0xFFFF8000  }
0xfc: {  	v3 =	vld [tilespmem:$0x120];
	_ =	sdelay $0x4  }
0xfd: {  	v27 =	vshll.u32 v3, $0x4  }
0xfe: {  	v3 =	vand.u32 $0x7, v3;
	v4 =	vand.u32 $0xFFFFFF80, v27  }
0xff: {  	v3 =	vor.u32 v3, v4  }
0x100: {  	v4 =	vperm.xlane v3, v0  }
0x101: {  	v28 =	vld [tilespmem:$0x20]  }
0x102: {  	v4 =	vadd.s32 v1, v4;
	_ =	sdelay $0x3  }
0x103: {  	s28 =	simm.s32 $0x8380;
	[tilespmem:$0x280] =	vst v28  }
0x104: {  	[tilespmem:s28], [sflag:$0x4] =	stream.indirect_vreg.gather [hbm4b:s4+s5], $0x80, v4, vm0, $0xb8;
	[tilespmem:$0x18380] =	vst v63  }
0x105: {  	s29 =	simm.s32 $0x8B80  }
0x106: {  	[tilespmem:s29], [sflag:$0x4] =	stream.indirect_vreg.gather [hbm4b:s14+s5], $0x80, v4, vm0, $0xb8;
	[tilespmem:$0x18380] =	vst v63  }
0x107: {  	s30 =	simm.s32 $0x9380  }
0x108: {  	[tilespmem:s30], [sflag:$0x4] =	stream.indirect_vreg.gather [hbm4b:s15+s5], $0x80, v4, vm0, $0xb8;
	[tilespmem:$0x18380] =	vst v63  }
0x109: {  	s3 =	simm.s32 $0x9B80  }
0x10a: {  	[tilespmem:s3], [sflag:$0x4] =	stream.indirect_vreg.gather [hbm4b:s16+s5], $0x80, v4, vm0, $0xb8;
	[tilespmem:$0x18380] =	vst v63  }
0x10b: {  	s31 =	simm.s32 $0xA380  }
0x10c: {  	[tilespmem:s31], [sflag:$0x4] =	stream.indirect_vreg.gather [hbm4b:s17+s5], $0x80, v4, vm0, $0xb8;
	[tilespmem:$0x18380] =	vst v63  }
0x10d: {  	s25 =	simm.s32 $0xAB80;
	v3 =	vperm.xlane v3, v2  }
0x10e: {  	[tilespmem:s25], [sflag:$0x4] =	stream.indirect_vreg.gather [hbm4b:s18+s5], $0x80, v4, vm0, $0xb8;
	[tilespmem:$0x18380] =	vst v63  }
0x10f: {  	v3 =	vadd.s32 v1, v3;
	s25 =	simm.s32 $0xB380  }
0x110: {  	[tilespmem:s25], [sflag:$0x4] =	stream.indirect_vreg.gather [hbm4b:s19+s5], $0x80, v4, vm0, $0xb8;
	[tilespmem:$0x18380] =	vst v63  }
0x111: {  	s28 =	simm.s32 $0xBB80  }
0x112: {  	[tilespmem:s28], [sflag:$0x4] =	stream.indirect_vreg.gather [hbm4b:s20+s5], $0x80, v4, vm0, $0xb8;
	[tilespmem:$0x18380] =	vst v63  }
0x113: {  	s29 =	simm.s32 $0xC380  }
0x114: {  	[tilespmem:s29], [sflag:$0x4] =	stream.indirect_vreg.gather [hbm4b:s4+s5], $0x80, v3, vm0, $0xb8;
	[tilespmem:$0x18380] =	vst v63  }
0x115: {  	s30 =	simm.s32 $0xCB80  }
0x116: {  	[tilespmem:s30], [sflag:$0x4] =	stream.indirect_vreg.gather [hbm4b:s14+s5], $0x80, v3, vm0, $0xb8;
	[tilespmem:$0x18380] =	vst v63  }
0x117: {  	s31 =	simm.s32 $0xD380  }
0x118: {  	[tilespmem:s31], [sflag:$0x4] =	stream.indirect_vreg.gather [hbm4b:s15+s5], $0x80, v3, vm0, $0xb8;
	[tilespmem:$0x18380] =	vst v63  }
0x119: {  	s23 =	simm.s32 $0xDB80  }
0x11a: {  	[tilespmem:s23], [sflag:$0x4] =	stream.indirect_vreg.gather [hbm4b:s16+s5], $0x80, v3, vm0, $0xb8;
	[tilespmem:$0x18380] =	vst v63  }
0x11b: {  	s23 =	simm.s32 $0xE380  }
0x11c: {  	[tilespmem:s23], [sflag:$0x4] =	stream.indirect_vreg.gather [hbm4b:s17+s5], $0x80, v3, vm0, $0xb8;
	[tilespmem:$0x18380] =	vst v63  }
0x11d: {  	s23 =	simm.s32 $0xEB80  }
0x11e: {  	[tilespmem:s23], [sflag:$0x4] =	stream.indirect_vreg.gather [hbm4b:s18+s5], $0x80, v3, vm0, $0xb8;
	[tilespmem:$0x18380] =	vst v63  }
0x11f: {  	s23 =	simm.s32 $0xF380  }
0x120: {  	[tilespmem:s23], [sflag:$0x4] =	stream.indirect_vreg.gather [hbm4b:s19+s5], $0x80, v3, vm0, $0xb8;
	[tilespmem:$0x18380] =	vst v63  }
0x121: {  	s23 =	simm.s32 $0xFB80  }
0x122: {  	[tilespmem:s23], [sflag:$0x4] =	stream.indirect_vreg.gather [hbm4b:s20+s5], $0x80, v3, vm0, $0xb8;
	[tilespmem:$0x18380] =	vst v63  }
0x123: {  	s23 =	simm.s32 $0x3  }
0x124: {  	_ =	swait.ge [sflag:s23], $0x8000  }
0x125: {  	[sflag:s23] =	ssyncset.done $0x0  }
0x126: {  	[sflag:s23] =	ssyncadd.s32 $0xFFFF8000  }
0x127: {  	v3 =	vld [tilespmem:$0x200];
	_ =	sdelay $0x4  }
0x128: {  	v29 =	vshll.u32 v3, $0x4  }
0x129: {  	v3 =	vand.u32 $0x7, v3;
	v4 =	vand.u32 $0xFFFFFF80, v29  }
0x12a: {  	v3 =	vor.u32 v3, v4  }
0x12b: {  	v4 =	vperm.xlane v3, v0;
	_ =	sdelay $0x1  }
0x12c: {  	v4 =	vadd.s32 v1, v4;
	_ =	sdelay $0x3  }
0x12d: {  	s23 =	simm.s32 $0x380  }
0x12e: {  	[hbm4b:s2+s5] =	stream.indirect_vreg.scatter [tilespmem:s23], [sflag:$0x6], $0x80, v4, vm0, $0xb8;
	[tilespmem:$0x18380] =	vst v63  }
0x12f: {  	s23 =	simm.s32 $0xB80  }
0x130: {  	[hbm4b:s7+s5] =	stream.indirect_vreg.scatter [tilespmem:s23], [sflag:$0x6], $0x80, v4, vm0, $0xb8;
	[tilespmem:$0x18380] =	vst v63  }
0x131: {  	s23 =	simm.s32 $0x1380  }
0x132: {  	[hbm4b:s8+s5] =	stream.indirect_vreg.scatter [tilespmem:s23], [sflag:$0x6], $0x80, v4, vm0, $0xb8;
	[tilespmem:$0x18380] =	vst v63  }
0x133: {  	s23 =	simm.s32 $0x1B80  }
0x134: {  	[hbm4b:s9+s5] =	stream.indirect_vreg.scatter [tilespmem:s23], [sflag:$0x6], $0x80, v4, vm0, $0xb8;
	[tilespmem:$0x18380] =	vst v63  }
0x135: {  	s23 =	simm.s32 $0x2380  }
0x136: {  	[hbm4b:s10+s5] =	stream.indirect_vreg.scatter [tilespmem:s23], [sflag:$0x6], $0x80, v4, vm0, $0xb8;
	[tilespmem:$0x18380] =	vst v63  }
0x137: {  	v3 =	vperm.xlane v3, v2;
	s23 =	simm.s32 $0x2B80  }
0x138: {  	[hbm4b:s11+s5] =	stream.indirect_vreg.scatter [tilespmem:s23], [sflag:$0x6], $0x80, v4, vm0, $0xb8;
	[tilespmem:$0x18380] =	vst v63  }
0x139: {  	v3 =	vadd.s32 v1, v3  }
0x13a: {  	[hbm4b:s12+s5] =	stream.indirect_vreg.scatter [tilespmem:s26], [sflag:$0x6], $0x80, v4, vm0, $0xb8;
	[tilespmem:$0x18380] =	vst v63  }
0x13b: {  	_ = 	snop  }
0x13c: {  	[hbm4b:s13+s5] =	stream.indirect_vreg.scatter [tilespmem:s24], [sflag:$0x6], $0x80, v4, vm0, $0xb8;
	[tilespmem:$0x18380] =	vst v63  }
0x13d: {  	_ = 	snop  }
0x13e: {  	[hbm4b:s2+s5] =	stream.indirect_vreg.scatter [tilespmem:s22], [sflag:$0x6], $0x80, v3, vm0, $0xb8;
	[tilespmem:$0x18380] =	vst v63  }
0x13f: {  	s26 =	simm.s32 $0x4B80  }
0x140: {  	[hbm4b:s7+s5] =	stream.indirect_vreg.scatter [tilespmem:s26], [sflag:$0x6], $0x80, v3, vm0, $0xb8;
	[tilespmem:$0x18380] =	vst v63  }
0x141: {  	_ = 	snop  }
0x142: {  	[hbm4b:s8+s5] =	stream.indirect_vreg.scatter [tilespmem:s0], [sflag:$0x6], $0x80, v3, vm0, $0xb8;
	[tilespmem:$0x18380] =	vst v63  }
0x143: {  	_ = 	snop  }
0x144: {  	[hbm4b:s9+s5] =	stream.indirect_vreg.scatter [tilespmem:s6], [sflag:$0x6], $0x80, v3, vm0, $0xb8;
	[tilespmem:$0x18380] =	vst v63  }
0x145: {  	_ = 	snop  }
0x146: {  	[hbm4b:s10+s5] =	stream.indirect_vreg.scatter [tilespmem:s21], [sflag:$0x6], $0x80, v3, vm0, $0xb8;
	[tilespmem:$0x18380] =	vst v63  }
0x147: {  	s23 =	simm.s32 $0x6B80  }
0x148: {  	[hbm4b:s11+s5] =	stream.indirect_vreg.scatter [tilespmem:s23], [sflag:$0x6], $0x80, v3, vm0, $0xb8;
	[tilespmem:$0x18380] =	vst v63  }
0x149: {  	_ = 	snop  }
0x14a: {  	[hbm4b:s12+s5] =	stream.indirect_vreg.scatter [tilespmem:s1], [sflag:$0x6], $0x80, v3, vm0, $0xb8;
	[tilespmem:$0x18380] =	vst v63  }
0x14b: {  	s24 =	simm.s32 $0x7B80;
	s26 =	simm.s32 $0x8  }
0x14c: {  	[hbm4b:s13+s5] =	stream.indirect_vreg.scatter [tilespmem:s24], [sflag:$0x6], $0x80, v3, vm0, $0xb8;
	[tilespmem:$0x18380] =	vst v63  }
0x14d: {  	_ =	swait.ge [sflag:s26], $0x8000  }
0x14e: {  	[sflag:s26] =	ssyncset.done $0x0  }
0x14f: {  	[sflag:s26] =	ssyncadd.s32 $0xFFFF8000  }
0x150: {  	v3 =	vld [tilespmem:$0x130];
	_ =	sdelay $0x4  }
0x151: {  	v30 =	vshll.u32 v3, $0x4  }
0x152: {  	v3 =	vand.u32 $0x7, v3;
	v4 =	vand.u32 $0xFFFFFF80, v30  }
0x153: {  	v3 =	vor.u32 v3, v4  }
0x154: {  	v4 =	vperm.xlane v3, v0  }
0x155: {  	v31 =	vld [tilespmem:$0x30]  }
0x156: {  	v4 =	vadd.s32 v1, v4;
	_ =	sdelay $0x3  }
0x157: {  	s26 =	simm.s32 $0x10380;
	[tilespmem:$0x300] =	vst v31  }
0x158: {  	[tilespmem:s26], [sflag:$0x5] =	stream.indirect_vreg.gather [hbm4b:s4+s5], $0x80, v4, vm0, $0xb8;
	[tilespmem:$0x18380] =	vst v63  }
0x159: {  	s1 =	simm.s32 $0x10B80  }
0x15a: {  	[tilespmem:s1], [sflag:$0x5] =	stream.indirect_vreg.gather [hbm4b:s14+s5], $0x80, v4, vm0, $0xb8;
	[tilespmem:$0x18380] =	vst v63  }
0x15b: {  	s6 =	simm.s32 $0x11380  }
0x15c: {  	[tilespmem:s6], [sflag:$0x5] =	stream.indirect_vreg.gather [hbm4b:s15+s5], $0x80, v4, vm0, $0xb8;
	[tilespmem:$0x18380] =	vst v63  }
0x15d: {  	s21 =	simm.s32 $0x11B80  }
0x15e: {  	[tilespmem:s21], [sflag:$0x5] =	stream.indirect_vreg.gather [hbm4b:s16+s5], $0x80, v4, vm0, $0xb8;
	[tilespmem:$0x18380] =	vst v63  }
0x15f: {  	s6 =	simm.s32 $0x12380  }
0x160: {  	[tilespmem:s6], [sflag:$0x5] =	stream.indirect_vreg.gather [hbm4b:s17+s5], $0x80, v4, vm0, $0xb8;
	[tilespmem:$0x18380] =	vst v63  }
0x161: {  	v3 =	vperm.xlane v3, v2;
	s21 =	simm.s32 $0x12B80  }
0x162: {  	[tilespmem:s21], [sflag:$0x5] =	stream.indirect_vreg.gather [hbm4b:s18+s5], $0x80, v4, vm0, $0xb8;
	[tilespmem:$0x18380] =	vst v63  }
0x163: {  	s22 =	simm.s32 $0x13380;
	v3 =	vadd.s32 v1, v3  }
0x164: {  	[tilespmem:s22], [sflag:$0x5] =	stream.indirect_vreg.gather [hbm4b:s19+s5], $0x80, v4, vm0, $0xb8;
	[tilespmem:$0x18380] =	vst v63  }
0x165: {  	s23 =	simm.s32 $0x13B80  }
0x166: {  	[tilespmem:s23], [sflag:$0x5] =	stream.indirect_vreg.gather [hbm4b:s20+s5], $0x80, v4, vm0, $0xb8;
	[tilespmem:$0x18380] =	vst v63  }
0x167: {  	s23 =	simm.s32 $0x14380  }
0x168: {  	[tilespmem:s23], [sflag:$0x5] =	stream.indirect_vreg.gather [hbm4b:s4+s5], $0x80, v3, vm0, $0xb8;
	[tilespmem:$0x18380] =	vst v63  }
0x169: {  	s24 =	simm.s32 $0x14B80  }
0x16a: {  	[tilespmem:s24], [sflag:$0x5] =	stream.indirect_vreg.gather [hbm4b:s14+s5], $0x80, v3, vm0, $0xb8;
	[tilespmem:$0x18380] =	vst v63  }
0x16b: {  	s24 =	simm.s32 $0x15380  }
0x16c: {  	[tilespmem:s24], [sflag:$0x5] =	stream.indirect_vreg.gather [hbm4b:s15+s5], $0x80, v3, vm0, $0xb8;
	[tilespmem:$0x18380] =	vst v63  }
0x16d: {  	s1 =	simm.s32 $0x15B80  }
0x16e: {  	[tilespmem:s1], [sflag:$0x5] =	stream.indirect_vreg.gather [hbm4b:s16+s5], $0x80, v3, vm0, $0xb8;
	[tilespmem:$0x18380] =	vst v63  }
0x16f: {  	s22 =	simm.s32 $0x16380  }
0x170: {  	[tilespmem:s22], [sflag:$0x5] =	stream.indirect_vreg.gather [hbm4b:s17+s5], $0x80, v3, vm0, $0xb8;
	[tilespmem:$0x18380] =	vst v63  }
0x171: {  	s1 =	simm.s32 $0x16B80  }
0x172: {  	[tilespmem:s1], [sflag:$0x5] =	stream.indirect_vreg.gather [hbm4b:s18+s5], $0x80, v3, vm0, $0xb8;
	[tilespmem:$0x18380] =	vst v63  }
0x173: {  	s1 =	simm.s32 $0x17380  }
0x174: {  	[tilespmem:s1], [sflag:$0x5] =	stream.indirect_vreg.gather [hbm4b:s19+s5], $0x80, v3, vm0, $0xb8;
	[tilespmem:$0x18380] =	vst v63  }
0x175: {  	s0 =	simm.s32 $0x4;
	s22 =	simm.s32 $0x17B80  }
0x176: {  	[tilespmem:s22], [sflag:$0x5] =	stream.indirect_vreg.gather [hbm4b:s20+s5], $0x80, v3, vm0, $0xb8;
	[tilespmem:$0x18380] =	vst v63  }
0x177: {  	_ =	swait.ge [sflag:s0], $0x8000  }
0x178: {  	[sflag:s0] =	ssyncset.done $0x0  }
0x179: {  	[sflag:s0] =	ssyncadd.s32 $0xFFFF8000  }
0x17a: {  	v3 =	vld [tilespmem:$0x280];
	_ =	sdelay $0x4  }
0x17b: {  	v32 =	vshll.u32 v3, $0x4  }
0x17c: {  	v3 =	vand.u32 $0x7, v3;
	v4 =	vand.u32 $0xFFFFFF80, v32  }
0x17d: {  	v3 =	vor.u32 v3, v4  }
0x17e: {  	v4 =	vperm.xlane v3, v0;
	_ =	sdelay $0x1  }
0x17f: {  	v4 =	vadd.s32 v1, v4;
	_ =	sdelay $0x3  }
0x180: {  	s0 =	simm.s32 $0x8380  }
0x181: {  	[hbm4b:s2+s5] =	stream.indirect_vreg.scatter [tilespmem:s0], [sflag:$0x7], $0x80, v4, vm0, $0xb8;
	[tilespmem:$0x18380] =	vst v63  }
0x182: {  	s0 =	simm.s32 $0x8B80  }
0x183: {  	[hbm4b:s7+s5] =	stream.indirect_vreg.scatter [tilespmem:s0], [sflag:$0x7], $0x80, v4, vm0, $0xb8;
	[tilespmem:$0x18380] =	vst v63  }
0x184: {  	s0 =	simm.s32 $0x9380  }
0x185: {  	[hbm4b:s8+s5] =	stream.indirect_vreg.scatter [tilespmem:s0], [sflag:$0x7], $0x80, v4, vm0, $0xb8;
	[tilespmem:$0x18380] =	vst v63  }
0x186: {  	_ = 	snop  }
0x187: {  	[hbm4b:s9+s5] =	stream.indirect_vreg.scatter [tilespmem:s3], [sflag:$0x7], $0x80, v4, vm0, $0xb8;
	[tilespmem:$0x18380] =	vst v63  }
0x188: {  	s3 =	simm.s32 $0xA380  }
0x189: {  	[hbm4b:s10+s5] =	stream.indirect_vreg.scatter [tilespmem:s3], [sflag:$0x7], $0x80, v4, vm0, $0xb8;
	[tilespmem:$0x18380] =	vst v63  }
0x18a: {  	v3 =	vperm.xlane v3, v2;
	s3 =	simm.s32 $0xAB80  }
0x18b: {  	[hbm4b:s11+s5] =	stream.indirect_vreg.scatter [tilespmem:s3], [sflag:$0x7], $0x80, v4, vm0, $0xb8;
	[tilespmem:$0x18380] =	vst v63  }
0x18c: {  	v3 =	vadd.s32 v1, v3  }
0x18d: {  	[hbm4b:s12+s5] =	stream.indirect_vreg.scatter [tilespmem:s25], [sflag:$0x7], $0x80, v4, vm0, $0xb8;
	[tilespmem:$0x18380] =	vst v63  }
0x18e: {  	_ = 	snop  }
0x18f: {  	[hbm4b:s13+s5] =	stream.indirect_vreg.scatter [tilespmem:s28], [sflag:$0x7], $0x80, v4, vm0, $0xb8;
	[tilespmem:$0x18380] =	vst v63  }
0x190: {  	_ = 	snop  }
0x191: {  	[hbm4b:s2+s5] =	stream.indirect_vreg.scatter [tilespmem:s29], [sflag:$0x7], $0x80, v3, vm0, $0xb8;
	[tilespmem:$0x18380] =	vst v63  }
0x192: {  	_ = 	snop  }
0x193: {  	[hbm4b:s7+s5] =	stream.indirect_vreg.scatter [tilespmem:s30], [sflag:$0x7], $0x80, v3, vm0, $0xb8;
	[tilespmem:$0x18380] =	vst v63  }
0x194: {  	_ = 	snop  }
0x195: {  	[hbm4b:s8+s5] =	stream.indirect_vreg.scatter [tilespmem:s31], [sflag:$0x7], $0x80, v3, vm0, $0xb8;
	[tilespmem:$0x18380] =	vst v63  }
0x196: {  	s31 =	simm.s32 $0xDB80  }
0x197: {  	[hbm4b:s9+s5] =	stream.indirect_vreg.scatter [tilespmem:s31], [sflag:$0x7], $0x80, v3, vm0, $0xb8;
	[tilespmem:$0x18380] =	vst v63  }
0x198: {  	s3 =	simm.s32 $0xE380  }
0x199: {  	[hbm4b:s10+s5] =	stream.indirect_vreg.scatter [tilespmem:s3], [sflag:$0x7], $0x80, v3, vm0, $0xb8;
	[tilespmem:$0x18380] =	vst v63  }
0x19a: {  	s25 =	simm.s32 $0xEB80  }
0x19b: {  	[hbm4b:s11+s5] =	stream.indirect_vreg.scatter [tilespmem:s25], [sflag:$0x7], $0x80, v3, vm0, $0xb8;
	[tilespmem:$0x18380] =	vst v63  }
0x19c: {  	s28 =	simm.s32 $0xF380  }
0x19d: {  	[hbm4b:s12+s5] =	stream.indirect_vreg.scatter [tilespmem:s28], [sflag:$0x7], $0x80, v3, vm0, $0xb8;
	[tilespmem:$0x18380] =	vst v63  }
0x19e: {  	s29 =	simm.s32 $0xFB80;
	s30 =	simm.s32 $0x6  }
0x19f: {  	[hbm4b:s13+s5] =	stream.indirect_vreg.scatter [tilespmem:s29], [sflag:$0x7], $0x80, v3, vm0, $0xb8;
	[tilespmem:$0x18380] =	vst v63  }
0x1a0: {  	_ =	swait.ge [sflag:s30], $0x8000  }
0x1a1: {  	[sflag:s30] =	ssyncset.done $0x0  }
0x1a2: {  	[sflag:s30] =	ssyncadd.s32 $0xFFFF8000  }
0x1a3: {  	v3 =	vld [tilespmem:$0x140];
	_ =	sdelay $0x4  }
0x1a4: {  	v33 =	vshll.u32 v3, $0x4  }
0x1a5: {  	v3 =	vand.u32 $0x7, v3;
	v4 =	vand.u32 $0xFFFFFF80, v33  }
0x1a6: {  	v3 =	vor.u32 v3, v4  }
0x1a7: {  	v4 =	vperm.xlane v3, v0  }
0x1a8: {  	v34 =	vld [tilespmem:$0x40]  }
0x1a9: {  	v4 =	vadd.s32 v1, v4;
	_ =	sdelay $0x3  }
0x1aa: {  	s31 =	simm.s32 $0x380;
	[tilespmem:$0x200] =	vst v34  }
0x1ab: {  	[tilespmem:s31], [sflag:$0x3] =	stream.indirect_vreg.gather [hbm4b:s4+s5], $0x80, v4, vm0, $0xb8;
	[tilespmem:$0x18380] =	vst v63  }
0x1ac: {  	s3 =	simm.s32 $0xB80  }
0x1ad: {  	[tilespmem:s3], [sflag:$0x3] =	stream.indirect_vreg.gather [hbm4b:s14+s5], $0x80, v4, vm0, $0xb8;
	[tilespmem:$0x18380] =	vst v63  }
0x1ae: {  	s25 =	simm.s32 $0x1380  }
0x1af: {  	[tilespmem:s25], [sflag:$0x3] =	stream.indirect_vreg.gather [hbm4b:s15+s5], $0x80, v4, vm0, $0xb8;
	[tilespmem:$0x18380] =	vst v63  }
0x1b0: {  	s28 =	simm.s32 $0x1B80  }
0x1b1: {  	[tilespmem:s28], [sflag:$0x3] =	stream.indirect_vreg.gather [hbm4b:s16+s5], $0x80, v4, vm0, $0xb8;
	[tilespmem:$0x18380] =	vst v63  }
0x1b2: {  	s29 =	simm.s32 $0x2380  }
0x1b3: {  	[tilespmem:s29], [sflag:$0x3] =	stream.indirect_vreg.gather [hbm4b:s17+s5], $0x80, v4, vm0, $0xb8;
	[tilespmem:$0x18380] =	vst v63  }
0x1b4: {  	s30 =	simm.s32 $0x2B80;
	v3 =	vperm.xlane v3, v2  }
0x1b5: {  	[tilespmem:s30], [sflag:$0x3] =	stream.indirect_vreg.gather [hbm4b:s18+s5], $0x80, v4, vm0, $0xb8;
	[tilespmem:$0x18380] =	vst v63  }
0x1b6: {  	v3 =	vadd.s32 v1, v3;
	s31 =	simm.s32 $0x3380  }
0x1b7: {  	[tilespmem:s31], [sflag:$0x3] =	stream.indirect_vreg.gather [hbm4b:s19+s5], $0x80, v4, vm0, $0xb8;
	[tilespmem:$0x18380] =	vst v63  }
0x1b8: {  	s3 =	simm.s32 $0x3B80  }
0x1b9: {  	[tilespmem:s3], [sflag:$0x3] =	stream.indirect_vreg.gather [hbm4b:s20+s5], $0x80, v4, vm0, $0xb8;
	[tilespmem:$0x18380] =	vst v63  }
0x1ba: {  	s25 =	simm.s32 $0x4380  }
0x1bb: {  	[tilespmem:s25], [sflag:$0x3] =	stream.indirect_vreg.gather [hbm4b:s4+s5], $0x80, v3, vm0, $0xb8;
	[tilespmem:$0x18380] =	vst v63  }
0x1bc: {  	s28 =	simm.s32 $0x4B80  }
0x1bd: {  	[tilespmem:s28], [sflag:$0x3] =	stream.indirect_vreg.gather [hbm4b:s14+s5], $0x80, v3, vm0, $0xb8;
	[tilespmem:$0x18380] =	vst v63  }
0x1be: {  	s29 =	simm.s32 $0x5380  }
0x1bf: {  	[tilespmem:s29], [sflag:$0x3] =	stream.indirect_vreg.gather [hbm4b:s15+s5], $0x80, v3, vm0, $0xb8;
	[tilespmem:$0x18380] =	vst v63  }
0x1c0: {  	s30 =	simm.s32 $0x5B80  }
0x1c1: {  	[tilespmem:s30], [sflag:$0x3] =	stream.indirect_vreg.gather [hbm4b:s16+s5], $0x80, v3, vm0, $0xb8;
	[tilespmem:$0x18380] =	vst v63  }
0x1c2: {  	s31 =	simm.s32 $0x6380  }
0x1c3: {  	[tilespmem:s31], [sflag:$0x3] =	stream.indirect_vreg.gather [hbm4b:s17+s5], $0x80, v3, vm0, $0xb8;
	[tilespmem:$0x18380] =	vst v63  }
0x1c4: {  	s3 =	simm.s32 $0x6B80  }
0x1c5: {  	[tilespmem:s3], [sflag:$0x3] =	stream.indirect_vreg.gather [hbm4b:s18+s5], $0x80, v3, vm0, $0xb8;
	[tilespmem:$0x18380] =	vst v63  }
0x1c6: {  	s25 =	simm.s32 $0x7380  }
0x1c7: {  	[tilespmem:s25], [sflag:$0x3] =	stream.indirect_vreg.gather [hbm4b:s19+s5], $0x80, v3, vm0, $0xb8;
	[tilespmem:$0x18380] =	vst v63  }
0x1c8: {  	s28 =	simm.s32 $0x7B80;
	s29 =	simm.s32 $0x5  }
0x1c9: {  	[tilespmem:s28], [sflag:$0x3] =	stream.indirect_vreg.gather [hbm4b:s20+s5], $0x80, v3, vm0, $0xb8;
	[tilespmem:$0x18380] =	vst v63  }
0x1ca: {  	_ =	swait.ge [sflag:s29], $0x8000  }
0x1cb: {  	[sflag:s29] =	ssyncset.done $0x0  }
0x1cc: {  	[sflag:s29] =	ssyncadd.s32 $0xFFFF8000  }
0x1cd: {  	v3 =	vld [tilespmem:$0x300];
	_ =	sdelay $0x4  }
0x1ce: {  	v35 =	vshll.u32 v3, $0x4  }
0x1cf: {  	v3 =	vand.u32 $0x7, v3;
	v4 =	vand.u32 $0xFFFFFF80, v35  }
0x1d0: {  	v3 =	vor.u32 v3, v4  }
0x1d1: {  	v4 =	vperm.xlane v3, v0;
	_ =	sdelay $0x1  }
0x1d2: {  	v4 =	vadd.s32 v1, v4;
	_ =	sdelay $0x4  }
0x1d3: {  	[hbm4b:s2+s5] =	stream.indirect_vreg.scatter [tilespmem:s26], [sflag:$0x8], $0x80, v4, vm0, $0xb8;
	[tilespmem:$0x18380] =	vst v63  }
0x1d4: {  	s30 =	simm.s32 $0x10B80  }
0x1d5: {  	[hbm4b:s7+s5] =	stream.indirect_vreg.scatter [tilespmem:s30], [sflag:$0x8], $0x80, v4, vm0, $0xb8;
	[tilespmem:$0x18380] =	vst v63  }
0x1d6: {  	s31 =	simm.s32 $0x11380  }
0x1d7: {  	[hbm4b:s8+s5] =	stream.indirect_vreg.scatter [tilespmem:s31], [sflag:$0x8], $0x80, v4, vm0, $0xb8;
	[tilespmem:$0x18380] =	vst v63  }
0x1d8: {  	s3 =	simm.s32 $0x11B80  }
0x1d9: {  	[hbm4b:s9+s5] =	stream.indirect_vreg.scatter [tilespmem:s3], [sflag:$0x8], $0x80, v4, vm0, $0xb8;
	[tilespmem:$0x18380] =	vst v63  }
0x1da: {  	_ = 	snop  }
0x1db: {  	[hbm4b:s10+s5] =	stream.indirect_vreg.scatter [tilespmem:s6], [sflag:$0x8], $0x80, v4, vm0, $0xb8;
	[tilespmem:$0x18380] =	vst v63  }
0x1dc: {  	v3 =	vperm.xlane v3, v2  }
0x1dd: {  	[hbm4b:s11+s5] =	stream.indirect_vreg.scatter [tilespmem:s21], [sflag:$0x8], $0x80, v4, vm0, $0xb8;
	[tilespmem:$0x18380] =	vst v63  }
0x1de: {  	v3 =	vadd.s32 v1, v3;
	s6 =	simm.s32 $0x13380  }
0x1df: {  	[hbm4b:s12+s5] =	stream.indirect_vreg.scatter [tilespmem:s6], [sflag:$0x8], $0x80, v4, vm0, $0xb8;
	[tilespmem:$0x18380] =	vst v63  }
0x1e0: {  	s21 =	simm.s32 $0x13B80  }
0x1e1: {  	[hbm4b:s13+s5] =	stream.indirect_vreg.scatter [tilespmem:s21], [sflag:$0x8], $0x80, v4, vm0, $0xb8;
	[tilespmem:$0x18380] =	vst v63  }
0x1e2: {  	_ = 	snop  }
0x1e3: {  	[hbm4b:s2+s5] =	stream.indirect_vreg.scatter [tilespmem:s23], [sflag:$0x8], $0x80, v3, vm0, $0xb8;
	[tilespmem:$0x18380] =	vst v63  }
0x1e4: {  	s23 =	simm.s32 $0x14B80  }
0x1e5: {  	[hbm4b:s7+s5] =	stream.indirect_vreg.scatter [tilespmem:s23], [sflag:$0x8], $0x80, v3, vm0, $0xb8;
	[tilespmem:$0x18380] =	vst v63  }
0x1e6: {  	_ = 	snop  }
0x1e7: {  	[hbm4b:s8+s5] =	stream.indirect_vreg.scatter [tilespmem:s24], [sflag:$0x8], $0x80, v3, vm0, $0xb8;
	[tilespmem:$0x18380] =	vst v63  }
0x1e8: {  	s24 =	simm.s32 $0x15B80  }
0x1e9: {  	[hbm4b:s9+s5] =	stream.indirect_vreg.scatter [tilespmem:s24], [sflag:$0x8], $0x80, v3, vm0, $0xb8;
	[tilespmem:$0x18380] =	vst v63  }
0x1ea: {  	s25 =	simm.s32 $0x16380  }
0x1eb: {  	[hbm4b:s10+s5] =	stream.indirect_vreg.scatter [tilespmem:s25], [sflag:$0x8], $0x80, v3, vm0, $0xb8;
	[tilespmem:$0x18380] =	vst v63  }
0x1ec: {  	s26 =	simm.s32 $0x16B80  }
0x1ed: {  	[hbm4b:s11+s5] =	stream.indirect_vreg.scatter [tilespmem:s26], [sflag:$0x8], $0x80, v3, vm0, $0xb8;
	[tilespmem:$0x18380] =	vst v63  }
0x1ee: {  	_ = 	snop  }
0x1ef: {  	[hbm4b:s12+s5] =	stream.indirect_vreg.scatter [tilespmem:s1], [sflag:$0x8], $0x80, v3, vm0, $0xb8;
	[tilespmem:$0x18380] =	vst v63  }
0x1f0: {  	s28 =	simm.s32 $0x7  }
0x1f1: {  	[hbm4b:s13+s5] =	stream.indirect_vreg.scatter [tilespmem:s22], [sflag:$0x8], $0x80, v3, vm0, $0xb8;
	[tilespmem:$0x18380] =	vst v63  }
0x1f2: {  	_ =	swait.ge [sflag:s28], $0x8000  }
0x1f3: {  	[sflag:s28] =	ssyncset.done $0x0  }
0x1f4: {  	[sflag:s28] =	ssyncadd.s32 $0xFFFF8000  }
0x1f5: {  	v3 =	vld [tilespmem:$0x150];
	_ =	sdelay $0x4  }
0x1f6: {  	v36 =	vshll.u32 v3, $0x4  }
0x1f7: {  	v3 =	vand.u32 $0x7, v3;
	v4 =	vand.u32 $0xFFFFFF80, v36  }
0x1f8: {  	v3 =	vor.u32 v3, v4  }
0x1f9: {  	v4 =	vperm.xlane v3, v0  }
0x1fa: {  	v37 =	vld [tilespmem:$0x50]  }
0x1fb: {  	v4 =	vadd.s32 v1, v4;
	_ =	sdelay $0x3  }
0x1fc: {  	s29 =	simm.s32 $0x8380;
	[tilespmem:$0x280] =	vst v37  }
0x1fd: {  	[tilespmem:s29], [sflag:$0x4] =	stream.indirect_vreg.gather [hbm4b:s4+s5], $0x80, v4, vm0, $0xb8;
	[tilespmem:$0x18380] =	vst v63  }
0x1fe: {  	s3 =	simm.s32 $0x8B80  }
0x1ff: {  	[tilespmem:s3], [sflag:$0x4] =	stream.indirect_vreg.gather [hbm4b:s14+s5], $0x80, v4, vm0, $0xb8;
	[tilespmem:$0x18380] =	vst v63  }
0x200: {  	s30 =	simm.s32 $0x9380  }
0x201: {  	[tilespmem:s30], [sflag:$0x4] =	stream.indirect_vreg.gather [hbm4b:s15+s5], $0x80, v4, vm0, $0xb8;
	[tilespmem:$0x18380] =	vst v63  }
0x202: {  	s1 =	simm.s32 $0x9B80  }
0x203: {  	[tilespmem:s1], [sflag:$0x4] =	stream.indirect_vreg.gather [hbm4b:s16+s5], $0x80, v4, vm0, $0xb8;
	[tilespmem:$0x18380] =	vst v63  }
0x204: {  	s6 =	simm.s32 $0xA380  }
0x205: {  	[tilespmem:s6], [sflag:$0x4] =	stream.indirect_vreg.gather [hbm4b:s17+s5], $0x80, v4, vm0, $0xb8;
	[tilespmem:$0x18380] =	vst v63  }
0x206: {  	s31 =	simm.s32 $0xAB80;
	v3 =	vperm.xlane v3, v2  }
0x207: {  	[tilespmem:s31], [sflag:$0x4] =	stream.indirect_vreg.gather [hbm4b:s18+s5], $0x80, v4, vm0, $0xb8;
	[tilespmem:$0x18380] =	vst v63  }
0x208: {  	s21 =	simm.s32 $0xB380;
	v3 =	vadd.s32 v1, v3  }
0x209: {  	[tilespmem:s21], [sflag:$0x4] =	stream.indirect_vreg.gather [hbm4b:s19+s5], $0x80, v4, vm0, $0xb8;
	[tilespmem:$0x18380] =	vst v63  }
0x20a: {  	s22 =	simm.s32 $0xBB80  }
0x20b: {  	[tilespmem:s22], [sflag:$0x4] =	stream.indirect_vreg.gather [hbm4b:s20+s5], $0x80, v4, vm0, $0xb8;
	[tilespmem:$0x18380] =	vst v63  }
0x20c: {  	s23 =	simm.s32 $0xC380  }
0x20d: {  	[tilespmem:s23], [sflag:$0x4] =	stream.indirect_vreg.gather [hbm4b:s4+s5], $0x80, v3, vm0, $0xb8;
	[tilespmem:$0x18380] =	vst v63  }
0x20e: {  	s24 =	simm.s32 $0xCB80  }
0x20f: {  	[tilespmem:s24], [sflag:$0x4] =	stream.indirect_vreg.gather [hbm4b:s14+s5], $0x80, v3, vm0, $0xb8;
	[tilespmem:$0x18380] =	vst v63  }
0x210: {  	s25 =	simm.s32 $0xD380  }
0x211: {  	[tilespmem:s25], [sflag:$0x4] =	stream.indirect_vreg.gather [hbm4b:s15+s5], $0x80, v3, vm0, $0xb8;
	[tilespmem:$0x18380] =	vst v63  }
0x212: {  	s26 =	simm.s32 $0xDB80  }
0x213: {  	[tilespmem:s26], [sflag:$0x4] =	stream.indirect_vreg.gather [hbm4b:s16+s5], $0x80, v3, vm0, $0xb8;
	[tilespmem:$0x18380] =	vst v63  }
0x214: {  	s28 =	simm.s32 $0xE380  }
0x215: {  	[tilespmem:s28], [sflag:$0x4] =	stream.indirect_vreg.gather [hbm4b:s17+s5], $0x80, v3, vm0, $0xb8;
	[tilespmem:$0x18380] =	vst v63  }
0x216: {  	s29 =	simm.s32 $0xEB80  }
0x217: {  	[tilespmem:s29], [sflag:$0x4] =	stream.indirect_vreg.gather [hbm4b:s18+s5], $0x80, v3, vm0, $0xb8;
	[tilespmem:$0x18380] =	vst v63  }
0x218: {  	s30 =	simm.s32 $0xF380  }
0x219: {  	[tilespmem:s30], [sflag:$0x4] =	stream.indirect_vreg.gather [hbm4b:s19+s5], $0x80, v3, vm0, $0xb8;
	[tilespmem:$0x18380] =	vst v63  }
0x21a: {  	s0 =	simm.s32 $0x3;
	s31 =	simm.s32 $0xFB80  }
0x21b: {  	[tilespmem:s31], [sflag:$0x4] =	stream.indirect_vreg.gather [hbm4b:s20+s5], $0x80, v3, vm0, $0xb8;
	[tilespmem:$0x18380] =	vst v63  }
0x21c: {  	_ =	swait.ge [sflag:s0], $0x8000  }
0x21d: {  	[sflag:s0] =	ssyncset.done $0x0  }
0x21e: {  	[sflag:s0] =	ssyncadd.s32 $0xFFFF8000  }
0x21f: {  	v3 =	vld [tilespmem:$0x200];
	_ =	sdelay $0x4  }
0x220: {  	v38 =	vshll.u32 v3, $0x4  }
0x221: {  	v3 =	vand.u32 $0x7, v3;
	v4 =	vand.u32 $0xFFFFFF80, v38  }
0x222: {  	v3 =	vor.u32 v3, v4  }
0x223: {  	v4 =	vperm.xlane v3, v0;
	_ =	sdelay $0x1  }
0x224: {  	v4 =	vadd.s32 v1, v4;
	_ =	sdelay $0x3  }
0x225: {  	s0 =	simm.s32 $0x380  }
0x226: {  	[hbm4b:s2+s5] =	stream.indirect_vreg.scatter [tilespmem:s0], [sflag:$0x6], $0x80, v4, vm0, $0xb8;
	[tilespmem:$0x18380] =	vst v63  }
0x227: {  	s0 =	simm.s32 $0xB80  }
0x228: {  	[hbm4b:s7+s5] =	stream.indirect_vreg.scatter [tilespmem:s0], [sflag:$0x6], $0x80, v4, vm0, $0xb8;
	[tilespmem:$0x18380] =	vst v63  }
0x229: {  	s0 =	simm.s32 $0x1380  }
0x22a: {  	[hbm4b:s8+s5] =	stream.indirect_vreg.scatter [tilespmem:s0], [sflag:$0x6], $0x80, v4, vm0, $0xb8;
	[tilespmem:$0x18380] =	vst v63  }
0x22b: {  	s0 =	simm.s32 $0x1B80  }
0x22c: {  	[hbm4b:s9+s5] =	stream.indirect_vreg.scatter [tilespmem:s0], [sflag:$0x6], $0x80, v4, vm0, $0xb8;
	[tilespmem:$0x18380] =	vst v63  }
0x22d: {  	s0 =	simm.s32 $0x2380  }
0x22e: {  	[hbm4b:s10+s5] =	stream.indirect_vreg.scatter [tilespmem:s0], [sflag:$0x6], $0x80, v4, vm0, $0xb8;
	[tilespmem:$0x18380] =	vst v63  }
0x22f: {  	v3 =	vperm.xlane v3, v2;
	s0 =	simm.s32 $0x2B80  }
0x230: {  	[hbm4b:s11+s5] =	stream.indirect_vreg.scatter [tilespmem:s0], [sflag:$0x6], $0x80, v4, vm0, $0xb8;
	[tilespmem:$0x18380] =	vst v63  }
0x231: {  	v3 =	vadd.s32 v1, v3;
	s0 =	simm.s32 $0x3380  }
0x232: {  	[hbm4b:s12+s5] =	stream.indirect_vreg.scatter [tilespmem:s0], [sflag:$0x6], $0x80, v4, vm0, $0xb8;
	[tilespmem:$0x18380] =	vst v63  }
0x233: {  	s0 =	simm.s32 $0x3B80  }
0x234: {  	[hbm4b:s13+s5] =	stream.indirect_vreg.scatter [tilespmem:s0], [sflag:$0x6], $0x80, v4, vm0, $0xb8;
	[tilespmem:$0x18380] =	vst v63  }
0x235: {  	s0 =	simm.s32 $0x4380  }
0x236: {  	[hbm4b:s2+s5] =	stream.indirect_vreg.scatter [tilespmem:s0], [sflag:$0x6], $0x80, v3, vm0, $0xb8;
	[tilespmem:$0x18380] =	vst v63  }
0x237: {  	s0 =	simm.s32 $0x4B80  }
0x238: {  	[hbm4b:s7+s5] =	stream.indirect_vreg.scatter [tilespmem:s0], [sflag:$0x6], $0x80, v3, vm0, $0xb8;
	[tilespmem:$0x18380] =	vst v63  }
0x239: {  	s0 =	simm.s32 $0x5380  }
0x23a: {  	[hbm4b:s8+s5] =	stream.indirect_vreg.scatter [tilespmem:s0], [sflag:$0x6], $0x80, v3, vm0, $0xb8;
	[tilespmem:$0x18380] =	vst v63  }
0x23b: {  	s0 =	simm.s32 $0x5B80  }
0x23c: {  	[hbm4b:s9+s5] =	stream.indirect_vreg.scatter [tilespmem:s0], [sflag:$0x6], $0x80, v3, vm0, $0xb8;
	[tilespmem:$0x18380] =	vst v63  }
0x23d: {  	s0 =	simm.s32 $0x6380  }
0x23e: {  	[hbm4b:s10+s5] =	stream.indirect_vreg.scatter [tilespmem:s0], [sflag:$0x6], $0x80, v3, vm0, $0xb8;
	[tilespmem:$0x18380] =	vst v63  }
0x23f: {  	s0 =	simm.s32 $0x6B80  }
0x240: {  	[hbm4b:s11+s5] =	stream.indirect_vreg.scatter [tilespmem:s0], [sflag:$0x6], $0x80, v3, vm0, $0xb8;
	[tilespmem:$0x18380] =	vst v63  }
0x241: {  	s0 =	simm.s32 $0x7380  }
0x242: {  	[hbm4b:s12+s5] =	stream.indirect_vreg.scatter [tilespmem:s0], [sflag:$0x6], $0x80, v3, vm0, $0xb8;
	[tilespmem:$0x18380] =	vst v63  }
0x243: {  	s0 =	simm.s32 $0x7B80  }
0x244: {  	[hbm4b:s13+s5] =	stream.indirect_vreg.scatter [tilespmem:s0], [sflag:$0x6], $0x80, v3, vm0, $0xb8;
	[tilespmem:$0x18380] =	vst v63  }
0x245: {  	s0 =	simm.s32 $0x8  }
0x246: {  	_ =	swait.ge [sflag:s0], $0x8000  }
0x247: {  	[sflag:s0] =	ssyncset.done $0x0  }
0x248: {  	[sflag:s0] =	ssyncadd.s32 $0xFFFF8000  }
0x249: {  	v3 =	vld [tilespmem:$0x160];
	_ =	sdelay $0x4  }
0x24a: {  	v39 =	vshll.u32 v3, $0x4  }
0x24b: {  	v3 =	vand.u32 $0x7, v3;
	v4 =	vand.u32 $0xFFFFFF80, v39  }
0x24c: {  	v3 =	vor.u32 v3, v4  }
0x24d: {  	v4 =	vperm.xlane v3, v0  }
0x24e: {  	v40 =	vld [tilespmem:$0x60]  }
0x24f: {  	v4 =	vadd.s32 v1, v4;
	_ =	sdelay $0x3  }
0x250: {  	s0 =	simm.s32 $0x10380;
	[tilespmem:$0x300] =	vst v40  }
0x251: {  	[tilespmem:s0], [sflag:$0x5] =	stream.indirect_vreg.gather [hbm4b:s4+s5], $0x80, v4, vm0, $0xb8;
	[tilespmem:$0x18380] =	vst v63  }
0x252: {  	s0 =	simm.s32 $0x10B80  }
0x253: {  	[tilespmem:s0], [sflag:$0x5] =	stream.indirect_vreg.gather [hbm4b:s14+s5], $0x80, v4, vm0, $0xb8;
	[tilespmem:$0x18380] =	vst v63  }
0x254: {  	s0 =	simm.s32 $0x11380  }
0x255: {  	[tilespmem:s0], [sflag:$0x5] =	stream.indirect_vreg.gather [hbm4b:s15+s5], $0x80, v4, vm0, $0xb8;
	[tilespmem:$0x18380] =	vst v63  }
0x256: {  	s0 =	simm.s32 $0x11B80  }
0x257: {  	[tilespmem:s0], [sflag:$0x5] =	stream.indirect_vreg.gather [hbm4b:s16+s5], $0x80, v4, vm0, $0xb8;
	[tilespmem:$0x18380] =	vst v63  }
0x258: {  	s0 =	simm.s32 $0x12380  }
0x259: {  	[tilespmem:s0], [sflag:$0x5] =	stream.indirect_vreg.gather [hbm4b:s17+s5], $0x80, v4, vm0, $0xb8;
	[tilespmem:$0x18380] =	vst v63  }
0x25a: {  	v3 =	vperm.xlane v3, v2;
	s0 =	simm.s32 $0x12B80  }
0x25b: {  	[tilespmem:s0], [sflag:$0x5] =	stream.indirect_vreg.gather [hbm4b:s18+s5], $0x80, v4, vm0, $0xb8;
	[tilespmem:$0x18380] =	vst v63  }
0x25c: {  	v3 =	vadd.s32 v1, v3;
	s0 =	simm.s32 $0x13380  }
0x25d: {  	[tilespmem:s0], [sflag:$0x5] =	stream.indirect_vreg.gather [hbm4b:s19+s5], $0x80, v4, vm0, $0xb8;
	[tilespmem:$0x18380] =	vst v63  }
0x25e: {  	s0 =	simm.s32 $0x13B80  }
0x25f: {  	[tilespmem:s0], [sflag:$0x5] =	stream.indirect_vreg.gather [hbm4b:s20+s5], $0x80, v4, vm0, $0xb8;
	[tilespmem:$0x18380] =	vst v63  }
0x260: {  	s0 =	simm.s32 $0x14380  }
0x261: {  	[tilespmem:s0], [sflag:$0x5] =	stream.indirect_vreg.gather [hbm4b:s4+s5], $0x80, v3, vm0, $0xb8;
	[tilespmem:$0x18380] =	vst v63  }
0x262: {  	s0 =	simm.s32 $0x14B80  }
0x263: {  	[tilespmem:s0], [sflag:$0x5] =	stream.indirect_vreg.gather [hbm4b:s14+s5], $0x80, v3, vm0, $0xb8;
	[tilespmem:$0x18380] =	vst v63  }
0x264: {  	s0 =	simm.s32 $0x15380  }
0x265: {  	[tilespmem:s0], [sflag:$0x5] =	stream.indirect_vreg.gather [hbm4b:s15+s5], $0x80, v3, vm0, $0xb8;
	[tilespmem:$0x18380] =	vst v63  }
0x266: {  	s0 =	simm.s32 $0x15B80  }
0x267: {  	[tilespmem:s0], [sflag:$0x5] =	stream.indirect_vreg.gather [hbm4b:s16+s5], $0x80, v3, vm0, $0xb8;
	[tilespmem:$0x18380] =	vst v63  }
0x268: {  	s0 =	simm.s32 $0x16380  }
0x269: {  	[tilespmem:s0], [sflag:$0x5] =	stream.indirect_vreg.gather [hbm4b:s17+s5], $0x80, v3, vm0, $0xb8;
	[tilespmem:$0x18380] =	vst v63  }
0x26a: {  	s0 =	simm.s32 $0x16B80  }
0x26b: {  	[tilespmem:s0], [sflag:$0x5] =	stream.indirect_vreg.gather [hbm4b:s18+s5], $0x80, v3, vm0, $0xb8;
	[tilespmem:$0x18380] =	vst v63  }
0x26c: {  	s0 =	simm.s32 $0x17380  }
0x26d: {  	[tilespmem:s0], [sflag:$0x5] =	stream.indirect_vreg.gather [hbm4b:s19+s5], $0x80, v3, vm0, $0xb8;
	[tilespmem:$0x18380] =	vst v63  }
0x26e: {  	s0 =	simm.s32 $0x17B80  }
0x26f: {  	[tilespmem:s0], [sflag:$0x5] =	stream.indirect_vreg.gather [hbm4b:s20+s5], $0x80, v3, vm0, $0xb8;
	[tilespmem:$0x18380] =	vst v63  }
0x270: {  	s0 =	simm.s32 $0x4  }
0x271: {  	_ =	swait.ge [sflag:s0], $0x8000  }
0x272: {  	[sflag:s0] =	ssyncset.done $0x0  }
0x273: {  	[sflag:s0] =	ssyncadd.s32 $0xFFFF8000  }
0x274: {  	v3 =	vld [tilespmem:$0x280];
	_ =	sdelay $0x4  }
0x275: {  	v41 =	vshll.u32 v3, $0x4  }
0x276: {  	v3 =	vand.u32 $0x7, v3;
	v4 =	vand.u32 $0xFFFFFF80, v41  }
0x277: {  	v3 =	vor.u32 v3, v4  }
0x278: {  	v4 =	vperm.xlane v3, v0;
	_ =	sdelay $0x1  }
0x279: {  	v4 =	vadd.s32 v1, v4;
	_ =	sdelay $0x3  }
0x27a: {  	s0 =	simm.s32 $0x8380  }
0x27b: {  	[hbm4b:s2+s5] =	stream.indirect_vreg.scatter [tilespmem:s0], [sflag:$0x7], $0x80, v4, vm0, $0xb8;
	[tilespmem:$0x18380] =	vst v63  }
0x27c: {  	_ = 	snop  }
0x27d: {  	[hbm4b:s7+s5] =	stream.indirect_vreg.scatter [tilespmem:s3], [sflag:$0x7], $0x80, v4, vm0, $0xb8;
	[tilespmem:$0x18380] =	vst v63  }
0x27e: {  	s3 =	simm.s32 $0x9380  }
0x27f: {  	[hbm4b:s8+s5] =	stream.indirect_vreg.scatter [tilespmem:s3], [sflag:$0x7], $0x80, v4, vm0, $0xb8;
	[tilespmem:$0x18380] =	vst v63  }
0x280: {  	_ = 	snop  }
0x281: {  	[hbm4b:s9+s5] =	stream.indirect_vreg.scatter [tilespmem:s1], [sflag:$0x7], $0x80, v4, vm0, $0xb8;
	[tilespmem:$0x18380] =	vst v63  }
0x282: {  	_ = 	snop  }
0x283: {  	[hbm4b:s10+s5] =	stream.indirect_vreg.scatter [tilespmem:s6], [sflag:$0x7], $0x80, v4, vm0, $0xb8;
	[tilespmem:$0x18380] =	vst v63  }
0x284: {  	v3 =	vperm.xlane v3, v2;
	s6 =	simm.s32 $0xAB80  }
0x285: {  	[hbm4b:s11+s5] =	stream.indirect_vreg.scatter [tilespmem:s6], [sflag:$0x7], $0x80, v4, vm0, $0xb8;
	[tilespmem:$0x18380] =	vst v63  }
0x286: {  	v3 =	vadd.s32 v1, v3  }
0x287: {  	[hbm4b:s12+s5] =	stream.indirect_vreg.scatter [tilespmem:s21], [sflag:$0x7], $0x80, v4, vm0, $0xb8;
	[tilespmem:$0x18380] =	vst v63  }
0x288: {  	_ = 	snop  }
0x289: {  	[hbm4b:s13+s5] =	stream.indirect_vreg.scatter [tilespmem:s22], [sflag:$0x7], $0x80, v4, vm0, $0xb8;
	[tilespmem:$0x18380] =	vst v63  }
0x28a: {  	_ = 	snop  }
0x28b: {  	[hbm4b:s2+s5] =	stream.indirect_vreg.scatter [tilespmem:s23], [sflag:$0x7], $0x80, v3, vm0, $0xb8;
	[tilespmem:$0x18380] =	vst v63  }
0x28c: {  	_ = 	snop  }
0x28d: {  	[hbm4b:s7+s5] =	stream.indirect_vreg.scatter [tilespmem:s24], [sflag:$0x7], $0x80, v3, vm0, $0xb8;
	[tilespmem:$0x18380] =	vst v63  }
0x28e: {  	_ = 	snop  }
0x28f: {  	[hbm4b:s8+s5] =	stream.indirect_vreg.scatter [tilespmem:s25], [sflag:$0x7], $0x80, v3, vm0, $0xb8;
	[tilespmem:$0x18380] =	vst v63  }
0x290: {  	_ = 	snop  }
0x291: {  	[hbm4b:s9+s5] =	stream.indirect_vreg.scatter [tilespmem:s26], [sflag:$0x7], $0x80, v3, vm0, $0xb8;
	[tilespmem:$0x18380] =	vst v63  }
0x292: {  	_ = 	snop  }
0x293: {  	[hbm4b:s10+s5] =	stream.indirect_vreg.scatter [tilespmem:s28], [sflag:$0x7], $0x80, v3, vm0, $0xb8;
	[tilespmem:$0x18380] =	vst v63  }
0x294: {  	_ = 	snop  }
0x295: {  	[hbm4b:s11+s5] =	stream.indirect_vreg.scatter [tilespmem:s29], [sflag:$0x7], $0x80, v3, vm0, $0xb8;
	[tilespmem:$0x18380] =	vst v63  }
0x296: {  	_ = 	snop  }
0x297: {  	[hbm4b:s12+s5] =	stream.indirect_vreg.scatter [tilespmem:s30], [sflag:$0x7], $0x80, v3, vm0, $0xb8;
	[tilespmem:$0x18380] =	vst v63  }
0x298: {  	s26 =	simm.s32 $0x6  }
0x299: {  	[hbm4b:s13+s5] =	stream.indirect_vreg.scatter [tilespmem:s31], [sflag:$0x7], $0x80, v3, vm0, $0xb8;
	[tilespmem:$0x18380] =	vst v63  }
0x29a: {  	_ =	swait.ge [sflag:s26], $0x8000  }
0x29b: {  	[sflag:s26] =	ssyncset.done $0x0  }
0x29c: {  	s28 =	simm.s32 $0x2;
	[sflag:s26] =	ssyncadd.s32 $0xFFFF8000  }
0x29d: {  	_ =	swait.ge [sflag:s28], $0x70  }
0x29e: {  	[sflag:s28] =	ssyncset.done $0x0  }
0x29f: {  	[sflag:s28] =	ssyncadd.s32 $0xFFFFFF90  }
0x2a0: {  	v3 =	vld [tilespmem:$0x170];
	_ =	sdelay $0x4  }
0x2a1: {  	v42 =	vshll.u32 v3, $0x4  }
0x2a2: {  	v3 =	vand.u32 $0x7, v3;
	v4 =	vand.u32 $0xFFFFFF80, v42  }
0x2a3: {  	v3 =	vor.u32 v3, v4  }
0x2a4: {  	v4 =	vperm.xlane v3, v0  }
0x2a5: {  	v43 =	vld [tilespmem:$0x70]  }
0x2a6: {  	v4 =	vadd.s32 v1, v4;
	_ =	sdelay $0x3  }
0x2a7: {  	s29 =	simm.s32 $0x380;
	[tilespmem:$0x200] =	vst v43  }
0x2a8: {  	[tilespmem:s29], [sflag:$0x3] =	stream.indirect_vreg.gather [hbm4b:s4+s5], $0x80, v4, vm0, $0xb8;
	[tilespmem:$0x18380] =	vst v63  }
0x2a9: {  	s22 =	simm.s32 $0xB80  }
0x2aa: {  	[tilespmem:s22], [sflag:$0x3] =	stream.indirect_vreg.gather [hbm4b:s14+s5], $0x80, v4, vm0, $0xb8;
	[tilespmem:$0x18380] =	vst v63  }
0x2ab: {  	s23 =	simm.s32 $0x1380  }
0x2ac: {  	[tilespmem:s23], [sflag:$0x3] =	stream.indirect_vreg.gather [hbm4b:s15+s5], $0x80, v4, vm0, $0xb8;
	[tilespmem:$0x18380] =	vst v63  }
0x2ad: {  	s21 =	simm.s32 $0x1B80  }
0x2ae: {  	[tilespmem:s21], [sflag:$0x3] =	stream.indirect_vreg.gather [hbm4b:s16+s5], $0x80, v4, vm0, $0xb8;
	[tilespmem:$0x18380] =	vst v63  }
0x2af: {  	s24 =	simm.s32 $0x2380  }
0x2b0: {  	[tilespmem:s24], [sflag:$0x3] =	stream.indirect_vreg.gather [hbm4b:s17+s5], $0x80, v4, vm0, $0xb8;
	[tilespmem:$0x18380] =	vst v63  }
0x2b1: {  	s25 =	simm.s32 $0x2B80;
	v3 =	vperm.xlane v3, v2  }
0x2b2: {  	[tilespmem:s25], [sflag:$0x3] =	stream.indirect_vreg.gather [hbm4b:s18+s5], $0x80, v4, vm0, $0xb8;
	[tilespmem:$0x18380] =	vst v63  }
0x2b3: {  	s30 =	simm.s32 $0x3380;
	v3 =	vadd.s32 v1, v3  }
0x2b4: {  	[tilespmem:s30], [sflag:$0x3] =	stream.indirect_vreg.gather [hbm4b:s19+s5], $0x80, v4, vm0, $0xb8;
	[tilespmem:$0x18380] =	vst v63  }
0x2b5: {  	s31 =	simm.s32 $0x3B80  }
0x2b6: {  	[tilespmem:s31], [sflag:$0x3] =	stream.indirect_vreg.gather [hbm4b:s20+s5], $0x80, v4, vm0, $0xb8;
	[tilespmem:$0x18380] =	vst v63  }
0x2b7: {  	s1 =	simm.s32 $0x4380  }
0x2b8: {  	[tilespmem:s1], [sflag:$0x3] =	stream.indirect_vreg.gather [hbm4b:s4+s5], $0x80, v3, vm0, $0xb8;
	[tilespmem:$0x18380] =	vst v63  }
0x2b9: {  	s6 =	simm.s32 $0x4B80  }
0x2ba: {  	[tilespmem:s6], [sflag:$0x3] =	stream.indirect_vreg.gather [hbm4b:s14+s5], $0x80, v3, vm0, $0xb8;
	[tilespmem:$0x18380] =	vst v63  }
0x2bb: {  	s3 =	simm.s32 $0x5380  }
0x2bc: {  	[tilespmem:s3], [sflag:$0x3] =	stream.indirect_vreg.gather [hbm4b:s15+s5], $0x80, v3, vm0, $0xb8;
	[tilespmem:$0x18380] =	vst v63  }
0x2bd: {  	s26 =	simm.s32 $0x5B80  }
0x2be: {  	[tilespmem:s26], [sflag:$0x3] =	stream.indirect_vreg.gather [hbm4b:s16+s5], $0x80, v3, vm0, $0xb8;
	[tilespmem:$0x18380] =	vst v63  }
0x2bf: {  	s28 =	simm.s32 $0x6380  }
0x2c0: {  	[tilespmem:s28], [sflag:$0x3] =	stream.indirect_vreg.gather [hbm4b:s17+s5], $0x80, v3, vm0, $0xb8;
	[tilespmem:$0x18380] =	vst v63  }
0x2c1: {  	s1 =	simm.s32 $0x6B80  }
0x2c2: {  	[tilespmem:s1], [sflag:$0x3] =	stream.indirect_vreg.gather [hbm4b:s18+s5], $0x80, v3, vm0, $0xb8;
	[tilespmem:$0x18380] =	vst v63  }
0x2c3: {  	s29 =	simm.s32 $0x7380  }
0x2c4: {  	[tilespmem:s29], [sflag:$0x3] =	stream.indirect_vreg.gather [hbm4b:s19+s5], $0x80, v3, vm0, $0xb8;
	[tilespmem:$0x18380] =	vst v63  }
0x2c5: {  	s30 =	simm.s32 $0x5;
	s3 =	simm.s32 $0x7B80  }
0x2c6: {  	[tilespmem:s3], [sflag:$0x3] =	stream.indirect_vreg.gather [hbm4b:s20+s5], $0x80, v3, vm0, $0xb8;
	[tilespmem:$0x18380] =	vst v63  }
0x2c7: {  	_ =	swait.ge [sflag:s30], $0x8000  }
0x2c8: {  	[sflag:s30] =	ssyncset.done $0x0  }
0x2c9: {  	[sflag:s30] =	ssyncadd.s32 $0xFFFF8000  }
0x2ca: {  	v3 =	vld [tilespmem:$0x300];
	_ =	sdelay $0x4  }
0x2cb: {  	v44 =	vshll.u32 v3, $0x4  }
0x2cc: {  	v3 =	vand.u32 $0x7, v3;
	v4 =	vand.u32 $0xFFFFFF80, v44  }
0x2cd: {  	v3 =	vor.u32 v3, v4  }
0x2ce: {  	v4 =	vperm.xlane v3, v0;
	_ =	sdelay $0x1  }
0x2cf: {  	v4 =	vadd.s32 v1, v4;
	_ =	sdelay $0x3  }
0x2d0: {  	s26 =	simm.s32 $0x10380  }
0x2d1: {  	[hbm4b:s2+s5] =	stream.indirect_vreg.scatter [tilespmem:s26], [sflag:$0x8], $0x80, v4, vm0, $0xb8;
	[tilespmem:$0x18380] =	vst v63  }
0x2d2: {  	s29 =	simm.s32 $0x10B80  }
0x2d3: {  	[hbm4b:s7+s5] =	stream.indirect_vreg.scatter [tilespmem:s29], [sflag:$0x8], $0x80, v4, vm0, $0xb8;
	[tilespmem:$0x18380] =	vst v63  }
0x2d4: {  	s31 =	simm.s32 $0x11380  }
0x2d5: {  	[hbm4b:s8+s5] =	stream.indirect_vreg.scatter [tilespmem:s31], [sflag:$0x8], $0x80, v4, vm0, $0xb8;
	[tilespmem:$0x18380] =	vst v63  }
0x2d6: {  	s30 =	simm.s32 $0x11B80  }
0x2d7: {  	[hbm4b:s9+s5] =	stream.indirect_vreg.scatter [tilespmem:s30], [sflag:$0x8], $0x80, v4, vm0, $0xb8;
	[tilespmem:$0x18380] =	vst v63  }
0x2d8: {  	s28 =	simm.s32 $0x12380  }
0x2d9: {  	[hbm4b:s10+s5] =	stream.indirect_vreg.scatter [tilespmem:s28], [sflag:$0x8], $0x80, v4, vm0, $0xb8;
	[tilespmem:$0x18380] =	vst v63  }
0x2da: {  	v3 =	vperm.xlane v3, v2;
	s31 =	simm.s32 $0x12B80  }
0x2db: {  	[hbm4b:s11+s5] =	stream.indirect_vreg.scatter [tilespmem:s31], [sflag:$0x8], $0x80, v4, vm0, $0xb8;
	[tilespmem:$0x18380] =	vst v63  }
0x2dc: {  	v3 =	vadd.s32 v1, v3;
	s28 =	simm.s32 $0x13380  }
0x2dd: {  	[hbm4b:s12+s5] =	stream.indirect_vreg.scatter [tilespmem:s28], [sflag:$0x8], $0x80, v4, vm0, $0xb8;
	[tilespmem:$0x18380] =	vst v63  }
0x2de: {  	s31 =	simm.s32 $0x13B80  }
0x2df: {  	[hbm4b:s13+s5] =	stream.indirect_vreg.scatter [tilespmem:s31], [sflag:$0x8], $0x80, v4, vm0, $0xb8;
	[tilespmem:$0x18380] =	vst v63  }
0x2e0: {  	s0 =	simm.s32 $0x14380  }
0x2e1: {  	[hbm4b:s2+s5] =	stream.indirect_vreg.scatter [tilespmem:s0], [sflag:$0x8], $0x80, v3, vm0, $0xb8;
	[tilespmem:$0x18380] =	vst v63  }
0x2e2: {  	s0 =	simm.s32 $0x14B80  }
0x2e3: {  	[hbm4b:s7+s5] =	stream.indirect_vreg.scatter [tilespmem:s0], [sflag:$0x8], $0x80, v3, vm0, $0xb8;
	[tilespmem:$0x18380] =	vst v63  }
0x2e4: {  	s0 =	simm.s32 $0x15380  }
0x2e5: {  	[hbm4b:s8+s5] =	stream.indirect_vreg.scatter [tilespmem:s0], [sflag:$0x8], $0x80, v3, vm0, $0xb8;
	[tilespmem:$0x18380] =	vst v63  }
0x2e6: {  	s0 =	simm.s32 $0x15B80  }
0x2e7: {  	[hbm4b:s9+s5] =	stream.indirect_vreg.scatter [tilespmem:s0], [sflag:$0x8], $0x80, v3, vm0, $0xb8;
	[tilespmem:$0x18380] =	vst v63  }
0x2e8: {  	s0 =	simm.s32 $0x16380  }
0x2e9: {  	[hbm4b:s10+s5] =	stream.indirect_vreg.scatter [tilespmem:s0], [sflag:$0x8], $0x80, v3, vm0, $0xb8;
	[tilespmem:$0x18380] =	vst v63  }
0x2ea: {  	s0 =	simm.s32 $0x16B80  }
0x2eb: {  	[hbm4b:s11+s5] =	stream.indirect_vreg.scatter [tilespmem:s0], [sflag:$0x8], $0x80, v3, vm0, $0xb8;
	[tilespmem:$0x18380] =	vst v63  }
0x2ec: {  	s0 =	simm.s32 $0x17380  }
0x2ed: {  	[hbm4b:s12+s5] =	stream.indirect_vreg.scatter [tilespmem:s0], [sflag:$0x8], $0x80, v3, vm0, $0xb8;
	[tilespmem:$0x18380] =	vst v63  }
0x2ee: {  	s0 =	simm.s32 $0x17B80  }
0x2ef: {  	[hbm4b:s13+s5] =	stream.indirect_vreg.scatter [tilespmem:s0], [sflag:$0x8], $0x80, v3, vm0, $0xb8;
	[tilespmem:$0x18380] =	vst v63  }
0x2f0: {  	s0 =	simm.s32 $0x7  }
0x2f1: {  	_ =	swait.ge [sflag:s0], $0x8000  }
0x2f2: {  	[sflag:s0] =	ssyncset.done $0x0  }
0x2f3: {  	[sflag:s0] =	ssyncadd.s32 $0xFFFF8000  }
0x2f4: {  	v3 =	vld [tilespmem:$0x180];
	_ =	sdelay $0x4  }
0x2f5: {  	v45 =	vshll.u32 v3, $0x4  }
0x2f6: {  	v3 =	vand.u32 $0x7, v3;
	v4 =	vand.u32 $0xFFFFFF80, v45  }
0x2f7: {  	v3 =	vor.u32 v3, v4  }
0x2f8: {  	v4 =	vperm.xlane v3, v0  }
0x2f9: {  	v46 =	vld [tilespmem:$0x80]  }
0x2fa: {  	v4 =	vadd.s32 v1, v4;
	_ =	sdelay $0x3  }
0x2fb: {  	s0 =	simm.s32 $0x8380;
	[tilespmem:$0x280] =	vst v46  }
0x2fc: {  	[tilespmem:s0], [sflag:$0x4] =	stream.indirect_vreg.gather [hbm4b:s4+s5], $0x80, v4, vm0, $0xb8;
	[tilespmem:$0x18380] =	vst v63  }
0x2fd: {  	s0 =	simm.s32 $0x8B80  }
0x2fe: {  	[tilespmem:s0], [sflag:$0x4] =	stream.indirect_vreg.gather [hbm4b:s14+s5], $0x80, v4, vm0, $0xb8;
	[tilespmem:$0x18380] =	vst v63  }
0x2ff: {  	s0 =	simm.s32 $0x9380  }
0x300: {  	[tilespmem:s0], [sflag:$0x4] =	stream.indirect_vreg.gather [hbm4b:s15+s5], $0x80, v4, vm0, $0xb8;
	[tilespmem:$0x18380] =	vst v63  }
0x301: {  	s0 =	simm.s32 $0x9B80  }
0x302: {  	[tilespmem:s0], [sflag:$0x4] =	stream.indirect_vreg.gather [hbm4b:s16+s5], $0x80, v4, vm0, $0xb8;
	[tilespmem:$0x18380] =	vst v63  }
0x303: {  	s0 =	simm.s32 $0xA380  }
0x304: {  	[tilespmem:s0], [sflag:$0x4] =	stream.indirect_vreg.gather [hbm4b:s17+s5], $0x80, v4, vm0, $0xb8;
	[tilespmem:$0x18380] =	vst v63  }
0x305: {  	v3 =	vperm.xlane v3, v2;
	s0 =	simm.s32 $0xAB80  }
0x306: {  	[tilespmem:s0], [sflag:$0x4] =	stream.indirect_vreg.gather [hbm4b:s18+s5], $0x80, v4, vm0, $0xb8;
	[tilespmem:$0x18380] =	vst v63  }
0x307: {  	v3 =	vadd.s32 v1, v3;
	s0 =	simm.s32 $0xB380  }
0x308: {  	[tilespmem:s0], [sflag:$0x4] =	stream.indirect_vreg.gather [hbm4b:s19+s5], $0x80, v4, vm0, $0xb8;
	[tilespmem:$0x18380] =	vst v63  }
0x309: {  	s0 =	simm.s32 $0xBB80  }
0x30a: {  	[tilespmem:s0], [sflag:$0x4] =	stream.indirect_vreg.gather [hbm4b:s20+s5], $0x80, v4, vm0, $0xb8;
	[tilespmem:$0x18380] =	vst v63  }
0x30b: {  	s0 =	simm.s32 $0xC380  }
0x30c: {  	[tilespmem:s0], [sflag:$0x4] =	stream.indirect_vreg.gather [hbm4b:s4+s5], $0x80, v3, vm0, $0xb8;
	[tilespmem:$0x18380] =	vst v63  }
0x30d: {  	s0 =	simm.s32 $0xCB80  }
0x30e: {  	[tilespmem:s0], [sflag:$0x4] =	stream.indirect_vreg.gather [hbm4b:s14+s5], $0x80, v3, vm0, $0xb8;
	[tilespmem:$0x18380] =	vst v63  }
0x30f: {  	s0 =	simm.s32 $0xD380  }
0x310: {  	[tilespmem:s0], [sflag:$0x4] =	stream.indirect_vreg.gather [hbm4b:s15+s5], $0x80, v3, vm0, $0xb8;
	[tilespmem:$0x18380] =	vst v63  }
0x311: {  	s0 =	simm.s32 $0xDB80  }
0x312: {  	[tilespmem:s0], [sflag:$0x4] =	stream.indirect_vreg.gather [hbm4b:s16+s5], $0x80, v3, vm0, $0xb8;
	[tilespmem:$0x18380] =	vst v63  }
0x313: {  	s0 =	simm.s32 $0xE380  }
0x314: {  	[tilespmem:s0], [sflag:$0x4] =	stream.indirect_vreg.gather [hbm4b:s17+s5], $0x80, v3, vm0, $0xb8;
	[tilespmem:$0x18380] =	vst v63  }
0x315: {  	s0 =	simm.s32 $0xEB80  }
0x316: {  	[tilespmem:s0], [sflag:$0x4] =	stream.indirect_vreg.gather [hbm4b:s18+s5], $0x80, v3, vm0, $0xb8;
	[tilespmem:$0x18380] =	vst v63  }
0x317: {  	s0 =	simm.s32 $0xF380  }
0x318: {  	[tilespmem:s0], [sflag:$0x4] =	stream.indirect_vreg.gather [hbm4b:s19+s5], $0x80, v3, vm0, $0xb8;
	[tilespmem:$0x18380] =	vst v63  }
0x319: {  	s0 =	simm.s32 $0xFB80  }
0x31a: {  	[tilespmem:s0], [sflag:$0x4] =	stream.indirect_vreg.gather [hbm4b:s20+s5], $0x80, v3, vm0, $0xb8;
	[tilespmem:$0x18380] =	vst v63  }
0x31b: {  	s0 =	simm.s32 $0x3  }
0x31c: {  	_ =	swait.ge [sflag:s0], $0x8000  }
0x31d: {  	[sflag:s0] =	ssyncset.done $0x0  }
0x31e: {  	[sflag:s0] =	ssyncadd.s32 $0xFFFF8000  }
0x31f: {  	v3 =	vld [tilespmem:$0x200];
	_ =	sdelay $0x4  }
0x320: {  	v47 =	vshll.u32 v3, $0x4  }
0x321: {  	v3 =	vand.u32 $0x7, v3;
	v4 =	vand.u32 $0xFFFFFF80, v47  }
0x322: {  	v3 =	vor.u32 v3, v4  }
0x323: {  	v4 =	vperm.xlane v3, v0;
	_ =	sdelay $0x1  }
0x324: {  	v4 =	vadd.s32 v1, v4;
	_ =	sdelay $0x3  }
0x325: {  	s0 =	simm.s32 $0x380  }
0x326: {  	[hbm4b:s2+s5] =	stream.indirect_vreg.scatter [tilespmem:s0], [sflag:$0x6], $0x80, v4, vm0, $0xb8;
	[tilespmem:$0x18380] =	vst v63  }
0x327: {  	_ = 	snop  }
0x328: {  	[hbm4b:s7+s5] =	stream.indirect_vreg.scatter [tilespmem:s22], [sflag:$0x6], $0x80, v4, vm0, $0xb8;
	[tilespmem:$0x18380] =	vst v63  }
0x329: {  	_ = 	snop  }
0x32a: {  	[hbm4b:s8+s5] =	stream.indirect_vreg.scatter [tilespmem:s23], [sflag:$0x6], $0x80, v4, vm0, $0xb8;
	[tilespmem:$0x18380] =	vst v63  }
0x32b: {  	_ = 	snop  }
0x32c: {  	[hbm4b:s9+s5] =	stream.indirect_vreg.scatter [tilespmem:s21], [sflag:$0x6], $0x80, v4, vm0, $0xb8;
	[tilespmem:$0x18380] =	vst v63  }
0x32d: {  	_ = 	snop  }
0x32e: {  	[hbm4b:s10+s5] =	stream.indirect_vreg.scatter [tilespmem:s24], [sflag:$0x6], $0x80, v4, vm0, $0xb8;
	[tilespmem:$0x18380] =	vst v63  }
0x32f: {  	v3 =	vperm.xlane v3, v2  }
0x330: {  	[hbm4b:s11+s5] =	stream.indirect_vreg.scatter [tilespmem:s25], [sflag:$0x6], $0x80, v4, vm0, $0xb8;
	[tilespmem:$0x18380] =	vst v63  }
0x331: {  	v3 =	vadd.s32 v1, v3;
	s25 =	simm.s32 $0x3380  }
0x332: {  	[hbm4b:s12+s5] =	stream.indirect_vreg.scatter [tilespmem:s25], [sflag:$0x6], $0x80, v4, vm0, $0xb8;
	[tilespmem:$0x18380] =	vst v63  }
0x333: {  	s23 =	simm.s32 $0x3B80  }
0x334: {  	[hbm4b:s13+s5] =	stream.indirect_vreg.scatter [tilespmem:s23], [sflag:$0x6], $0x80, v4, vm0, $0xb8;
	[tilespmem:$0x18380] =	vst v63  }
0x335: {  	s24 =	simm.s32 $0x4380  }
0x336: {  	[hbm4b:s2+s5] =	stream.indirect_vreg.scatter [tilespmem:s24], [sflag:$0x6], $0x80, v3, vm0, $0xb8;
	[tilespmem:$0x18380] =	vst v63  }
0x337: {  	_ = 	snop  }
0x338: {  	[hbm4b:s7+s5] =	stream.indirect_vreg.scatter [tilespmem:s6], [sflag:$0x6], $0x80, v3, vm0, $0xb8;
	[tilespmem:$0x18380] =	vst v63  }
0x339: {  	s25 =	simm.s32 $0x5380  }
0x33a: {  	[hbm4b:s8+s5] =	stream.indirect_vreg.scatter [tilespmem:s25], [sflag:$0x6], $0x80, v3, vm0, $0xb8;
	[tilespmem:$0x18380] =	vst v63  }
0x33b: {  	s6 =	simm.s32 $0x5B80  }
0x33c: {  	[hbm4b:s9+s5] =	stream.indirect_vreg.scatter [tilespmem:s6], [sflag:$0x6], $0x80, v3, vm0, $0xb8;
	[tilespmem:$0x18380] =	vst v63  }
0x33d: {  	s23 =	simm.s32 $0x6380  }
0x33e: {  	[hbm4b:s10+s5] =	stream.indirect_vreg.scatter [tilespmem:s23], [sflag:$0x6], $0x80, v3, vm0, $0xb8;
	[tilespmem:$0x18380] =	vst v63  }
0x33f: {  	_ = 	snop  }
0x340: {  	[hbm4b:s11+s5] =	stream.indirect_vreg.scatter [tilespmem:s1], [sflag:$0x6], $0x80, v3, vm0, $0xb8;
	[tilespmem:$0x18380] =	vst v63  }
0x341: {  	s24 =	simm.s32 $0x7380  }
0x342: {  	[hbm4b:s12+s5] =	stream.indirect_vreg.scatter [tilespmem:s24], [sflag:$0x6], $0x80, v3, vm0, $0xb8;
	[tilespmem:$0x18380] =	vst v63  }
0x343: {  	s25 =	simm.s32 $0x8  }
0x344: {  	[hbm4b:s13+s5] =	stream.indirect_vreg.scatter [tilespmem:s3], [sflag:$0x6], $0x80, v3, vm0, $0xb8;
	[tilespmem:$0x18380] =	vst v63  }
0x345: {  	_ =	swait.ge [sflag:s25], $0x8000  }
0x346: {  	[sflag:s25] =	ssyncset.done $0x0  }
0x347: {  	[sflag:s25] =	ssyncadd.s32 $0xFFFF8000  }
0x348: {  	v3 =	vld [tilespmem:$0x190];
	_ =	sdelay $0x4  }
0x349: {  	v48 =	vshll.u32 v3, $0x4  }
0x34a: {  	v3 =	vand.u32 $0x7, v3;
	v4 =	vand.u32 $0xFFFFFF80, v48  }
0x34b: {  	v3 =	vor.u32 v3, v4  }
0x34c: {  	v4 =	vperm.xlane v3, v0  }
0x34d: {  	v49 =	vld [tilespmem:$0x90]  }
0x34e: {  	v4 =	vadd.s32 v1, v4;
	_ =	sdelay $0x3  }
0x34f: {  	[tilespmem:$0x300] =	vst v49  }
0x350: {  	[tilespmem:s26], [sflag:$0x5] =	stream.indirect_vreg.gather [hbm4b:s4+s5], $0x80, v4, vm0, $0xb8;
	[tilespmem:$0x18380] =	vst v63  }
0x351: {  	_ = 	snop  }
0x352: {  	[tilespmem:s29], [sflag:$0x5] =	stream.indirect_vreg.gather [hbm4b:s14+s5], $0x80, v4, vm0, $0xb8;
	[tilespmem:$0x18380] =	vst v63  }
0x353: {  	s29 =	simm.s32 $0x11380  }
0x354: {  	[tilespmem:s29], [sflag:$0x5] =	stream.indirect_vreg.gather [hbm4b:s15+s5], $0x80, v4, vm0, $0xb8;
	[tilespmem:$0x18380] =	vst v63  }
0x355: {  	_ = 	snop  }
0x356: {  	[tilespmem:s30], [sflag:$0x5] =	stream.indirect_vreg.gather [hbm4b:s16+s5], $0x80, v4, vm0, $0xb8;
	[tilespmem:$0x18380] =	vst v63  }
0x357: {  	s1 =	simm.s32 $0x12380  }
0x358: {  	[tilespmem:s1], [sflag:$0x5] =	stream.indirect_vreg.gather [hbm4b:s17+s5], $0x80, v4, vm0, $0xb8;
	[tilespmem:$0x18380] =	vst v63  }
0x359: {  	v3 =	vperm.xlane v3, v2;
	s30 =	simm.s32 $0x12B80  }
0x35a: {  	[tilespmem:s30], [sflag:$0x5] =	stream.indirect_vreg.gather [hbm4b:s18+s5], $0x80, v4, vm0, $0xb8;
	[tilespmem:$0x18380] =	vst v63  }
0x35b: {  	v3 =	vadd.s32 v1, v3  }
0x35c: {  	[tilespmem:s28], [sflag:$0x5] =	stream.indirect_vreg.gather [hbm4b:s19+s5], $0x80, v4, vm0, $0xb8;
	[tilespmem:$0x18380] =	vst v63  }
0x35d: {  	_ = 	snop  }
0x35e: {  	[tilespmem:s31], [sflag:$0x5] =	stream.indirect_vreg.gather [hbm4b:s20+s5], $0x80, v4, vm0, $0xb8;
	[tilespmem:$0x18380] =	vst v63  }
0x35f: {  	s3 =	simm.s32 $0x14380  }
0x360: {  	[tilespmem:s3], [sflag:$0x5] =	stream.indirect_vreg.gather [hbm4b:s4+s5], $0x80, v3, vm0, $0xb8;
	[tilespmem:$0x18380] =	vst v63  }
0x361: {  	s6 =	simm.s32 $0x14B80  }
0x362: {  	[tilespmem:s6], [sflag:$0x5] =	stream.indirect_vreg.gather [hbm4b:s14+s5], $0x80, v3, vm0, $0xb8;
	[tilespmem:$0x18380] =	vst v63  }
0x363: {  	s23 =	simm.s32 $0x15380  }
0x364: {  	[tilespmem:s23], [sflag:$0x5] =	stream.indirect_vreg.gather [hbm4b:s15+s5], $0x80, v3, vm0, $0xb8;
	[tilespmem:$0x18380] =	vst v63  }
0x365: {  	s24 =	simm.s32 $0x15B80  }
0x366: {  	[tilespmem:s24], [sflag:$0x5] =	stream.indirect_vreg.gather [hbm4b:s16+s5], $0x80, v3, vm0, $0xb8;
	[tilespmem:$0x18380] =	vst v63  }
0x367: {  	s25 =	simm.s32 $0x16380  }
0x368: {  	[tilespmem:s25], [sflag:$0x5] =	stream.indirect_vreg.gather [hbm4b:s17+s5], $0x80, v3, vm0, $0xb8;
	[tilespmem:$0x18380] =	vst v63  }
0x369: {  	s3 =	simm.s32 $0x16B80  }
0x36a: {  	[tilespmem:s3], [sflag:$0x5] =	stream.indirect_vreg.gather [hbm4b:s18+s5], $0x80, v3, vm0, $0xb8;
	[tilespmem:$0x18380] =	vst v63  }
0x36b: {  	s26 =	simm.s32 $0x17380  }
0x36c: {  	[tilespmem:s26], [sflag:$0x5] =	stream.indirect_vreg.gather [hbm4b:s19+s5], $0x80, v3, vm0, $0xb8;
	[tilespmem:$0x18380] =	vst v63  }
0x36d: {  	s29 =	simm.s32 $0x4;
	s28 =	simm.s32 $0x17B80  }
0x36e: {  	[tilespmem:s28], [sflag:$0x5] =	stream.indirect_vreg.gather [hbm4b:s20+s5], $0x80, v3, vm0, $0xb8;
	[tilespmem:$0x18380] =	vst v63  }
0x36f: {  	_ =	swait.ge [sflag:s29], $0x8000  }
0x370: {  	[sflag:s29] =	ssyncset.done $0x0  }
0x371: {  	[sflag:s29] =	ssyncadd.s32 $0xFFFF8000  }
0x372: {  	v3 =	vld [tilespmem:$0x280];
	_ =	sdelay $0x4  }
0x373: {  	v50 =	vshll.u32 v3, $0x4  }
0x374: {  	v3 =	vand.u32 $0x7, v3;
	v4 =	vand.u32 $0xFFFFFF80, v50  }
0x375: {  	v3 =	vor.u32 v3, v4  }
0x376: {  	v4 =	vperm.xlane v3, v0;
	_ =	sdelay $0x1  }
0x377: {  	v4 =	vadd.s32 v1, v4;
	_ =	sdelay $0x3  }
0x378: {  	s30 =	simm.s32 $0x8380  }
0x379: {  	[hbm4b:s2+s5] =	stream.indirect_vreg.scatter [tilespmem:s30], [sflag:$0x7], $0x80, v4, vm0, $0xb8;
	[tilespmem:$0x18380] =	vst v63  }
0x37a: {  	s31 =	simm.s32 $0x8B80  }
0x37b: {  	[hbm4b:s7+s5] =	stream.indirect_vreg.scatter [tilespmem:s31], [sflag:$0x7], $0x80, v4, vm0, $0xb8;
	[tilespmem:$0x18380] =	vst v63  }
0x37c: {  	s6 =	simm.s32 $0x9380  }
0x37d: {  	[hbm4b:s8+s5] =	stream.indirect_vreg.scatter [tilespmem:s6], [sflag:$0x7], $0x80, v4, vm0, $0xb8;
	[tilespmem:$0x18380] =	vst v63  }
0x37e: {  	s23 =	simm.s32 $0x9B80  }
0x37f: {  	[hbm4b:s9+s5] =	stream.indirect_vreg.scatter [tilespmem:s23], [sflag:$0x7], $0x80, v4, vm0, $0xb8;
	[tilespmem:$0x18380] =	vst v63  }
0x380: {  	s24 =	simm.s32 $0xA380  }
0x381: {  	[hbm4b:s10+s5] =	stream.indirect_vreg.scatter [tilespmem:s24], [sflag:$0x7], $0x80, v4, vm0, $0xb8;
	[tilespmem:$0x18380] =	vst v63  }
0x382: {  	s25 =	simm.s32 $0xAB80;
	v3 =	vperm.xlane v3, v2  }
0x383: {  	[hbm4b:s11+s5] =	stream.indirect_vreg.scatter [tilespmem:s25], [sflag:$0x7], $0x80, v4, vm0, $0xb8;
	[tilespmem:$0x18380] =	vst v63  }
0x384: {  	s26 =	simm.s32 $0xB380;
	v3 =	vadd.s32 v1, v3  }
0x385: {  	[hbm4b:s12+s5] =	stream.indirect_vreg.scatter [tilespmem:s26], [sflag:$0x7], $0x80, v4, vm0, $0xb8;
	[tilespmem:$0x18380] =	vst v63  }
0x386: {  	s28 =	simm.s32 $0xBB80  }
0x387: {  	[hbm4b:s13+s5] =	stream.indirect_vreg.scatter [tilespmem:s28], [sflag:$0x7], $0x80, v4, vm0, $0xb8;
	[tilespmem:$0x18380] =	vst v63  }
0x388: {  	s29 =	simm.s32 $0xC380  }
0x389: {  	[hbm4b:s2+s5] =	stream.indirect_vreg.scatter [tilespmem:s29], [sflag:$0x7], $0x80, v3, vm0, $0xb8;
	[tilespmem:$0x18380] =	vst v63  }
0x38a: {  	s30 =	simm.s32 $0xCB80  }
0x38b: {  	[hbm4b:s7+s5] =	stream.indirect_vreg.scatter [tilespmem:s30], [sflag:$0x7], $0x80, v3, vm0, $0xb8;
	[tilespmem:$0x18380] =	vst v63  }
0x38c: {  	s31 =	simm.s32 $0xD380  }
0x38d: {  	[hbm4b:s8+s5] =	stream.indirect_vreg.scatter [tilespmem:s31], [sflag:$0x7], $0x80, v3, vm0, $0xb8;
	[tilespmem:$0x18380] =	vst v63  }
0x38e: {  	s6 =	simm.s32 $0xDB80  }
0x38f: {  	[hbm4b:s9+s5] =	stream.indirect_vreg.scatter [tilespmem:s6], [sflag:$0x7], $0x80, v3, vm0, $0xb8;
	[tilespmem:$0x18380] =	vst v63  }
0x390: {  	s23 =	simm.s32 $0xE380  }
0x391: {  	[hbm4b:s10+s5] =	stream.indirect_vreg.scatter [tilespmem:s23], [sflag:$0x7], $0x80, v3, vm0, $0xb8;
	[tilespmem:$0x18380] =	vst v63  }
0x392: {  	s24 =	simm.s32 $0xEB80  }
0x393: {  	[hbm4b:s11+s5] =	stream.indirect_vreg.scatter [tilespmem:s24], [sflag:$0x7], $0x80, v3, vm0, $0xb8;
	[tilespmem:$0x18380] =	vst v63  }
0x394: {  	s25 =	simm.s32 $0xF380  }
0x395: {  	[hbm4b:s12+s5] =	stream.indirect_vreg.scatter [tilespmem:s25], [sflag:$0x7], $0x80, v3, vm0, $0xb8;
	[tilespmem:$0x18380] =	vst v63  }
0x396: {  	s26 =	simm.s32 $0xFB80;
	s28 =	simm.s32 $0x6  }
0x397: {  	[hbm4b:s13+s5] =	stream.indirect_vreg.scatter [tilespmem:s26], [sflag:$0x7], $0x80, v3, vm0, $0xb8;
	[tilespmem:$0x18380] =	vst v63  }
0x398: {  	_ =	swait.ge [sflag:s28], $0x8000  }
0x399: {  	[sflag:s28] =	ssyncset.done $0x0  }
0x39a: {  	[sflag:s28] =	ssyncadd.s32 $0xFFFF8000  }
0x39b: {  	v3 =	vld [tilespmem:$0x1A0];
	_ =	sdelay $0x4  }
0x39c: {  	v51 =	vshll.u32 v3, $0x4  }
0x39d: {  	v3 =	vand.u32 $0x7, v3;
	v4 =	vand.u32 $0xFFFFFF80, v51  }
0x39e: {  	v3 =	vor.u32 v3, v4  }
0x39f: {  	v4 =	vperm.xlane v3, v0  }
0x3a0: {  	v52 =	vld [tilespmem:$0xA0]  }
0x3a1: {  	v4 =	vadd.s32 v1, v4;
	_ =	sdelay $0x3  }
0x3a2: {  	s29 =	simm.s32 $0x380;
	[tilespmem:$0x200] =	vst v52  }
0x3a3: {  	[tilespmem:s29], [sflag:$0x3] =	stream.indirect_vreg.gather [hbm4b:s4+s5], $0x80, v4, vm0, $0xb8;
	[tilespmem:$0x18380] =	vst v63  }
0x3a4: {  	s30 =	simm.s32 $0xB80  }
0x3a5: {  	[tilespmem:s30], [sflag:$0x3] =	stream.indirect_vreg.gather [hbm4b:s14+s5], $0x80, v4, vm0, $0xb8;
	[tilespmem:$0x18380] =	vst v63  }
0x3a6: {  	s22 =	simm.s32 $0x1380  }
0x3a7: {  	[tilespmem:s22], [sflag:$0x3] =	stream.indirect_vreg.gather [hbm4b:s15+s5], $0x80, v4, vm0, $0xb8;
	[tilespmem:$0x18380] =	vst v63  }
0x3a8: {  	s21 =	simm.s32 $0x1B80  }
0x3a9: {  	[tilespmem:s21], [sflag:$0x3] =	stream.indirect_vreg.gather [hbm4b:s16+s5], $0x80, v4, vm0, $0xb8;
	[tilespmem:$0x18380] =	vst v63  }
0x3aa: {  	s26 =	simm.s32 $0x2380  }
0x3ab: {  	[tilespmem:s26], [sflag:$0x3] =	stream.indirect_vreg.gather [hbm4b:s17+s5], $0x80, v4, vm0, $0xb8;
	[tilespmem:$0x18380] =	vst v63  }
0x3ac: {  	s28 =	simm.s32 $0x2B80;
	v3 =	vperm.xlane v3, v2  }
0x3ad: {  	[tilespmem:s28], [sflag:$0x3] =	stream.indirect_vreg.gather [hbm4b:s18+s5], $0x80, v4, vm0, $0xb8;
	[tilespmem:$0x18380] =	vst v63  }
0x3ae: {  	s6 =	simm.s32 $0x3380;
	v3 =	vadd.s32 v1, v3  }
0x3af: {  	[tilespmem:s6], [sflag:$0x3] =	stream.indirect_vreg.gather [hbm4b:s19+s5], $0x80, v4, vm0, $0xb8;
	[tilespmem:$0x18380] =	vst v63  }
0x3b0: {  	s22 =	simm.s32 $0x3B80  }
0x3b1: {  	[tilespmem:s22], [sflag:$0x3] =	stream.indirect_vreg.gather [hbm4b:s20+s5], $0x80, v4, vm0, $0xb8;
	[tilespmem:$0x18380] =	vst v63  }
0x3b2: {  	s23 =	simm.s32 $0x4380  }
0x3b3: {  	[tilespmem:s23], [sflag:$0x3] =	stream.indirect_vreg.gather [hbm4b:s4+s5], $0x80, v3, vm0, $0xb8;
	[tilespmem:$0x18380] =	vst v63  }
0x3b4: {  	s25 =	simm.s32 $0x4B80  }
0x3b5: {  	[tilespmem:s25], [sflag:$0x3] =	stream.indirect_vreg.gather [hbm4b:s14+s5], $0x80, v3, vm0, $0xb8;
	[tilespmem:$0x18380] =	vst v63  }
0x3b6: {  	s24 =	simm.s32 $0x5380  }
0x3b7: {  	[tilespmem:s24], [sflag:$0x3] =	stream.indirect_vreg.gather [hbm4b:s15+s5], $0x80, v3, vm0, $0xb8;
	[tilespmem:$0x18380] =	vst v63  }
0x3b8: {  	s29 =	simm.s32 $0x5B80  }
0x3b9: {  	[tilespmem:s29], [sflag:$0x3] =	stream.indirect_vreg.gather [hbm4b:s16+s5], $0x80, v3, vm0, $0xb8;
	[tilespmem:$0x18380] =	vst v63  }
0x3ba: {  	s30 =	simm.s32 $0x6380  }
0x3bb: {  	[tilespmem:s30], [sflag:$0x3] =	stream.indirect_vreg.gather [hbm4b:s17+s5], $0x80, v3, vm0, $0xb8;
	[tilespmem:$0x18380] =	vst v63  }
0x3bc: {  	s31 =	simm.s32 $0x6B80  }
0x3bd: {  	[tilespmem:s31], [sflag:$0x3] =	stream.indirect_vreg.gather [hbm4b:s18+s5], $0x80, v3, vm0, $0xb8;
	[tilespmem:$0x18380] =	vst v63  }
0x3be: {  	s31 =	simm.s32 $0x7380  }
0x3bf: {  	[tilespmem:s31], [sflag:$0x3] =	stream.indirect_vreg.gather [hbm4b:s19+s5], $0x80, v3, vm0, $0xb8;
	[tilespmem:$0x18380] =	vst v63  }
0x3c0: {  	s0 =	simm.s32 $0x5;
	s21 =	simm.s32 $0x7B80  }
0x3c1: {  	[tilespmem:s21], [sflag:$0x3] =	stream.indirect_vreg.gather [hbm4b:s20+s5], $0x80, v3, vm0, $0xb8;
	[tilespmem:$0x18380] =	vst v63  }
0x3c2: {  	_ =	swait.ge [sflag:s0], $0x8000  }
0x3c3: {  	[sflag:s0] =	ssyncset.done $0x0  }
0x3c4: {  	[sflag:s0] =	ssyncadd.s32 $0xFFFF8000  }
0x3c5: {  	v3 =	vld [tilespmem:$0x300];
	_ =	sdelay $0x4  }
0x3c6: {  	v53 =	vshll.u32 v3, $0x4  }
0x3c7: {  	v3 =	vand.u32 $0x7, v3;
	v4 =	vand.u32 $0xFFFFFF80, v53  }
0x3c8: {  	v3 =	vor.u32 v3, v4  }
0x3c9: {  	v4 =	vperm.xlane v3, v0;
	_ =	sdelay $0x1  }
0x3ca: {  	v4 =	vadd.s32 v1, v4;
	_ =	sdelay $0x3  }
0x3cb: {  	s0 =	simm.s32 $0x10380  }
0x3cc: {  	[hbm4b:s2+s5] =	stream.indirect_vreg.scatter [tilespmem:s0], [sflag:$0x8], $0x80, v4, vm0, $0xb8;
	[tilespmem:$0x18380] =	vst v63  }
0x3cd: {  	s0 =	simm.s32 $0x10B80  }
0x3ce: {  	[hbm4b:s7+s5] =	stream.indirect_vreg.scatter [tilespmem:s0], [sflag:$0x8], $0x80, v4, vm0, $0xb8;
	[tilespmem:$0x18380] =	vst v63  }
0x3cf: {  	s0 =	simm.s32 $0x11380  }
0x3d0: {  	[hbm4b:s8+s5] =	stream.indirect_vreg.scatter [tilespmem:s0], [sflag:$0x8], $0x80, v4, vm0, $0xb8;
	[tilespmem:$0x18380] =	vst v63  }
0x3d1: {  	s0 =	simm.s32 $0x11B80  }
0x3d2: {  	[hbm4b:s9+s5] =	stream.indirect_vreg.scatter [tilespmem:s0], [sflag:$0x8], $0x80, v4, vm0, $0xb8;
	[tilespmem:$0x18380] =	vst v63  }
0x3d3: {  	_ = 	snop  }
0x3d4: {  	[hbm4b:s10+s5] =	stream.indirect_vreg.scatter [tilespmem:s1], [sflag:$0x8], $0x80, v4, vm0, $0xb8;
	[tilespmem:$0x18380] =	vst v63  }
0x3d5: {  	v3 =	vperm.xlane v3, v2;
	s1 =	simm.s32 $0x12B80  }
0x3d6: {  	[hbm4b:s11+s5] =	stream.indirect_vreg.scatter [tilespmem:s1], [sflag:$0x8], $0x80, v4, vm0, $0xb8;
	[tilespmem:$0x18380] =	vst v63  }
0x3d7: {  	v3 =	vadd.s32 v1, v3;
	s1 =	simm.s32 $0x13380  }
0x3d8: {  	[hbm4b:s12+s5] =	stream.indirect_vreg.scatter [tilespmem:s1], [sflag:$0x8], $0x80, v4, vm0, $0xb8;
	[tilespmem:$0x18380] =	vst v63  }
0x3d9: {  	s1 =	simm.s32 $0x13B80  }
0x3da: {  	[hbm4b:s13+s5] =	stream.indirect_vreg.scatter [tilespmem:s1], [sflag:$0x8], $0x80, v4, vm0, $0xb8;
	[tilespmem:$0x18380] =	vst v63  }
0x3db: {  	s1 =	simm.s32 $0x14380  }
0x3dc: {  	[hbm4b:s2+s5] =	stream.indirect_vreg.scatter [tilespmem:s1], [sflag:$0x8], $0x80, v3, vm0, $0xb8;
	[tilespmem:$0x18380] =	vst v63  }
0x3dd: {  	s1 =	simm.s32 $0x14B80  }
0x3de: {  	[hbm4b:s7+s5] =	stream.indirect_vreg.scatter [tilespmem:s1], [sflag:$0x8], $0x80, v3, vm0, $0xb8;
	[tilespmem:$0x18380] =	vst v63  }
0x3df: {  	s1 =	simm.s32 $0x15380  }
0x3e0: {  	[hbm4b:s8+s5] =	stream.indirect_vreg.scatter [tilespmem:s1], [sflag:$0x8], $0x80, v3, vm0, $0xb8;
	[tilespmem:$0x18380] =	vst v63  }
0x3e1: {  	s1 =	simm.s32 $0x15B80  }
0x3e2: {  	[hbm4b:s9+s5] =	stream.indirect_vreg.scatter [tilespmem:s1], [sflag:$0x8], $0x80, v3, vm0, $0xb8;
	[tilespmem:$0x18380] =	vst v63  }
0x3e3: {  	s1 =	simm.s32 $0x16380  }
0x3e4: {  	[hbm4b:s10+s5] =	stream.indirect_vreg.scatter [tilespmem:s1], [sflag:$0x8], $0x80, v3, vm0, $0xb8;
	[tilespmem:$0x18380] =	vst v63  }
0x3e5: {  	_ = 	snop  }
0x3e6: {  	[hbm4b:s11+s5] =	stream.indirect_vreg.scatter [tilespmem:s3], [sflag:$0x8], $0x80, v3, vm0, $0xb8;
	[tilespmem:$0x18380] =	vst v63  }
0x3e7: {  	s1 =	simm.s32 $0x17380  }
0x3e8: {  	[hbm4b:s12+s5] =	stream.indirect_vreg.scatter [tilespmem:s1], [sflag:$0x8], $0x80, v3, vm0, $0xb8;
	[tilespmem:$0x18380] =	vst v63  }
0x3e9: {  	s0 =	simm.s32 $0x7;
	s3 =	simm.s32 $0x17B80  }
0x3ea: {  	[hbm4b:s13+s5] =	stream.indirect_vreg.scatter [tilespmem:s3], [sflag:$0x8], $0x80, v3, vm0, $0xb8;
	[tilespmem:$0x18380] =	vst v63  }
0x3eb: {  	_ =	swait.ge [sflag:s0], $0x8000  }
0x3ec: {  	[sflag:s0] =	ssyncset.done $0x0  }
0x3ed: {  	[sflag:s0] =	ssyncadd.s32 $0xFFFF8000  }
0x3ee: {  	v3 =	vld [tilespmem:$0x1B0];
	_ =	sdelay $0x4  }
0x3ef: {  	v54 =	vshll.u32 v3, $0x4  }
0x3f0: {  	v3 =	vand.u32 $0x7, v3;
	v4 =	vand.u32 $0xFFFFFF80, v54  }
0x3f1: {  	v3 =	vor.u32 v3, v4  }
0x3f2: {  	v4 =	vperm.xlane v3, v0  }
0x3f3: {  	v55 =	vld [tilespmem:$0xB0]  }
0x3f4: {  	v4 =	vadd.s32 v1, v4;
	_ =	sdelay $0x3  }
0x3f5: {  	s1 =	simm.s32 $0x8380;
	[tilespmem:$0x280] =	vst v55  }
0x3f6: {  	[tilespmem:s1], [sflag:$0x4] =	stream.indirect_vreg.gather [hbm4b:s4+s5], $0x80, v4, vm0, $0xb8;
	[tilespmem:$0x18380] =	vst v63  }
0x3f7: {  	s3 =	simm.s32 $0x8B80  }
0x3f8: {  	[tilespmem:s3], [sflag:$0x4] =	stream.indirect_vreg.gather [hbm4b:s14+s5], $0x80, v4, vm0, $0xb8;
	[tilespmem:$0x18380] =	vst v63  }
0x3f9: {  	s1 =	simm.s32 $0x9380  }
0x3fa: {  	[tilespmem:s1], [sflag:$0x4] =	stream.indirect_vreg.gather [hbm4b:s15+s5], $0x80, v4, vm0, $0xb8;
	[tilespmem:$0x18380] =	vst v63  }
0x3fb: {  	s3 =	simm.s32 $0x9B80  }
0x3fc: {  	[tilespmem:s3], [sflag:$0x4] =	stream.indirect_vreg.gather [hbm4b:s16+s5], $0x80, v4, vm0, $0xb8;
	[tilespmem:$0x18380] =	vst v63  }
0x3fd: {  	s1 =	simm.s32 $0xA380  }
0x3fe: {  	[tilespmem:s1], [sflag:$0x4] =	stream.indirect_vreg.gather [hbm4b:s17+s5], $0x80, v4, vm0, $0xb8;
	[tilespmem:$0x18380] =	vst v63  }
0x3ff: {  	v3 =	vperm.xlane v3, v2;
	s3 =	simm.s32 $0xAB80  }
0x400: {  	[tilespmem:s3], [sflag:$0x4] =	stream.indirect_vreg.gather [hbm4b:s18+s5], $0x80, v4, vm0, $0xb8;
	[tilespmem:$0x18380] =	vst v63  }
0x401: {  	v3 =	vadd.s32 v1, v3;
	s1 =	simm.s32 $0xB380  }
0x402: {  	[tilespmem:s1], [sflag:$0x4] =	stream.indirect_vreg.gather [hbm4b:s19+s5], $0x80, v4, vm0, $0xb8;
	[tilespmem:$0x18380] =	vst v63  }
0x403: {  	s3 =	simm.s32 $0xBB80  }
0x404: {  	[tilespmem:s3], [sflag:$0x4] =	stream.indirect_vreg.gather [hbm4b:s20+s5], $0x80, v4, vm0, $0xb8;
	[tilespmem:$0x18380] =	vst v63  }
0x405: {  	s1 =	simm.s32 $0xC380  }
0x406: {  	[tilespmem:s1], [sflag:$0x4] =	stream.indirect_vreg.gather [hbm4b:s4+s5], $0x80, v3, vm0, $0xb8;
	[tilespmem:$0x18380] =	vst v63  }
0x407: {  	s3 =	simm.s32 $0xCB80  }
0x408: {  	[tilespmem:s3], [sflag:$0x4] =	stream.indirect_vreg.gather [hbm4b:s14+s5], $0x80, v3, vm0, $0xb8;
	[tilespmem:$0x18380] =	vst v63  }
0x409: {  	s1 =	simm.s32 $0xD380  }
0x40a: {  	[tilespmem:s1], [sflag:$0x4] =	stream.indirect_vreg.gather [hbm4b:s15+s5], $0x80, v3, vm0, $0xb8;
	[tilespmem:$0x18380] =	vst v63  }
0x40b: {  	s3 =	simm.s32 $0xDB80  }
0x40c: {  	[tilespmem:s3], [sflag:$0x4] =	stream.indirect_vreg.gather [hbm4b:s16+s5], $0x80, v3, vm0, $0xb8;
	[tilespmem:$0x18380] =	vst v63  }
0x40d: {  	s1 =	simm.s32 $0xE380  }
0x40e: {  	[tilespmem:s1], [sflag:$0x4] =	stream.indirect_vreg.gather [hbm4b:s17+s5], $0x80, v3, vm0, $0xb8;
	[tilespmem:$0x18380] =	vst v63  }
0x40f: {  	s3 =	simm.s32 $0xEB80  }
0x410: {  	[tilespmem:s3], [sflag:$0x4] =	stream.indirect_vreg.gather [hbm4b:s18+s5], $0x80, v3, vm0, $0xb8;
	[tilespmem:$0x18380] =	vst v63  }
0x411: {  	s1 =	simm.s32 $0xF380  }
0x412: {  	[tilespmem:s1], [sflag:$0x4] =	stream.indirect_vreg.gather [hbm4b:s19+s5], $0x80, v3, vm0, $0xb8;
	[tilespmem:$0x18380] =	vst v63  }
0x413: {  	s0 =	simm.s32 $0x3;
	s3 =	simm.s32 $0xFB80  }
0x414: {  	[tilespmem:s3], [sflag:$0x4] =	stream.indirect_vreg.gather [hbm4b:s20+s5], $0x80, v3, vm0, $0xb8;
	[tilespmem:$0x18380] =	vst v63  }
0x415: {  	_ =	swait.ge [sflag:s0], $0x8000  }
0x416: {  	[sflag:s0] =	ssyncset.done $0x0  }
0x417: {  	[sflag:s0] =	ssyncadd.s32 $0xFFFF8000  }
0x418: {  	v3 =	vld [tilespmem:$0x200];
	_ =	sdelay $0x4  }
0x419: {  	v56 =	vshll.u32 v3, $0x4  }
0x41a: {  	v3 =	vand.u32 $0x7, v3;
	v4 =	vand.u32 $0xFFFFFF80, v56  }
0x41b: {  	v3 =	vor.u32 v3, v4  }
0x41c: {  	v4 =	vperm.xlane v3, v0;
	_ =	sdelay $0x1  }
0x41d: {  	v4 =	vadd.s32 v1, v4;
	_ =	sdelay $0x3  }
0x41e: {  	s1 =	simm.s32 $0x380  }
0x41f: {  	[hbm4b:s2+s5] =	stream.indirect_vreg.scatter [tilespmem:s1], [sflag:$0x6], $0x80, v4, vm0, $0xb8;
	[tilespmem:$0x18380] =	vst v63  }
0x420: {  	s3 =	simm.s32 $0xB80  }
0x421: {  	[hbm4b:s7+s5] =	stream.indirect_vreg.scatter [tilespmem:s3], [sflag:$0x6], $0x80, v4, vm0, $0xb8;
	[tilespmem:$0x18380] =	vst v63  }
0x422: {  	s1 =	simm.s32 $0x1380  }
0x423: {  	[hbm4b:s8+s5] =	stream.indirect_vreg.scatter [tilespmem:s1], [sflag:$0x6], $0x80, v4, vm0, $0xb8;
	[tilespmem:$0x18380] =	vst v63  }
0x424: {  	s3 =	simm.s32 $0x1B80  }
0x425: {  	[hbm4b:s9+s5] =	stream.indirect_vreg.scatter [tilespmem:s3], [sflag:$0x6], $0x80, v4, vm0, $0xb8;
	[tilespmem:$0x18380] =	vst v63  }
0x426: {  	_ = 	snop  }
0x427: {  	[hbm4b:s10+s5] =	stream.indirect_vreg.scatter [tilespmem:s26], [sflag:$0x6], $0x80, v4, vm0, $0xb8;
	[tilespmem:$0x18380] =	vst v63  }
0x428: {  	v3 =	vperm.xlane v3, v2  }
0x429: {  	[hbm4b:s11+s5] =	stream.indirect_vreg.scatter [tilespmem:s28], [sflag:$0x6], $0x80, v4, vm0, $0xb8;
	[tilespmem:$0x18380] =	vst v63  }
0x42a: {  	v3 =	vadd.s32 v1, v3  }
0x42b: {  	[hbm4b:s12+s5] =	stream.indirect_vreg.scatter [tilespmem:s6], [sflag:$0x6], $0x80, v4, vm0, $0xb8;
	[tilespmem:$0x18380] =	vst v63  }
0x42c: {  	_ = 	snop  }
0x42d: {  	[hbm4b:s13+s5] =	stream.indirect_vreg.scatter [tilespmem:s22], [sflag:$0x6], $0x80, v4, vm0, $0xb8;
	[tilespmem:$0x18380] =	vst v63  }
0x42e: {  	_ = 	snop  }
0x42f: {  	[hbm4b:s2+s5] =	stream.indirect_vreg.scatter [tilespmem:s23], [sflag:$0x6], $0x80, v3, vm0, $0xb8;
	[tilespmem:$0x18380] =	vst v63  }
0x430: {  	_ = 	snop  }
0x431: {  	[hbm4b:s7+s5] =	stream.indirect_vreg.scatter [tilespmem:s25], [sflag:$0x6], $0x80, v3, vm0, $0xb8;
	[tilespmem:$0x18380] =	vst v63  }
0x432: {  	_ = 	snop  }
0x433: {  	[hbm4b:s8+s5] =	stream.indirect_vreg.scatter [tilespmem:s24], [sflag:$0x6], $0x80, v3, vm0, $0xb8;
	[tilespmem:$0x18380] =	vst v63  }
0x434: {  	_ = 	snop  }
0x435: {  	[hbm4b:s9+s5] =	stream.indirect_vreg.scatter [tilespmem:s29], [sflag:$0x6], $0x80, v3, vm0, $0xb8;
	[tilespmem:$0x18380] =	vst v63  }
0x436: {  	_ = 	snop  }
0x437: {  	[hbm4b:s10+s5] =	stream.indirect_vreg.scatter [tilespmem:s30], [sflag:$0x6], $0x80, v3, vm0, $0xb8;
	[tilespmem:$0x18380] =	vst v63  }
0x438: {  	s0 =	simm.s32 $0x6B80  }
0x439: {  	[hbm4b:s11+s5] =	stream.indirect_vreg.scatter [tilespmem:s0], [sflag:$0x6], $0x80, v3, vm0, $0xb8;
	[tilespmem:$0x18380] =	vst v63  }
0x43a: {  	_ = 	snop  }
0x43b: {  	[hbm4b:s12+s5] =	stream.indirect_vreg.scatter [tilespmem:s31], [sflag:$0x6], $0x80, v3, vm0, $0xb8;
	[tilespmem:$0x18380] =	vst v63  }
0x43c: {  	s28 =	simm.s32 $0x8  }
0x43d: {  	[hbm4b:s13+s5] =	stream.indirect_vreg.scatter [tilespmem:s21], [sflag:$0x6], $0x80, v3, vm0, $0xb8;
	[tilespmem:$0x18380] =	vst v63  }
0x43e: {  	_ =	swait.ge [sflag:s28], $0x8000  }
0x43f: {  	[sflag:s28] =	ssyncset.done $0x0  }
0x440: {  	[sflag:s28] =	ssyncadd.s32 $0xFFFF8000  }
0x441: {  	v3 =	vld [tilespmem:$0x1C0];
	_ =	sdelay $0x4  }
0x442: {  	v57 =	vshll.u32 v3, $0x4  }
0x443: {  	v3 =	vand.u32 $0x7, v3;
	v4 =	vand.u32 $0xFFFFFF80, v57  }
0x444: {  	v3 =	vor.u32 v3, v4  }
0x445: {  	v4 =	vperm.xlane v3, v0  }
0x446: {  	v58 =	vld [tilespmem:$0xC0]  }
0x447: {  	v4 =	vadd.s32 v1, v4;
	_ =	sdelay $0x3  }
0x448: {  	s29 =	simm.s32 $0x10380;
	[tilespmem:$0x300] =	vst v58  }
0x449: {  	[tilespmem:s29], [sflag:$0x5] =	stream.indirect_vreg.gather [hbm4b:s4+s5], $0x80, v4, vm0, $0xb8;
	[tilespmem:$0x18380] =	vst v63  }
0x44a: {  	s30 =	simm.s32 $0x10B80  }
0x44b: {  	[tilespmem:s30], [sflag:$0x5] =	stream.indirect_vreg.gather [hbm4b:s14+s5], $0x80, v4, vm0, $0xb8;
	[tilespmem:$0x18380] =	vst v63  }
0x44c: {  	s31 =	simm.s32 $0x11380  }
0x44d: {  	[tilespmem:s31], [sflag:$0x5] =	stream.indirect_vreg.gather [hbm4b:s15+s5], $0x80, v4, vm0, $0xb8;
	[tilespmem:$0x18380] =	vst v63  }
0x44e: {  	s3 =	simm.s32 $0x11B80  }
0x44f: {  	[tilespmem:s3], [sflag:$0x5] =	stream.indirect_vreg.gather [hbm4b:s16+s5], $0x80, v4, vm0, $0xb8;
	[tilespmem:$0x18380] =	vst v63  }
0x450: {  	s29 =	simm.s32 $0x12380  }
0x451: {  	[tilespmem:s29], [sflag:$0x5] =	stream.indirect_vreg.gather [hbm4b:s17+s5], $0x80, v4, vm0, $0xb8;
	[tilespmem:$0x18380] =	vst v63  }
0x452: {  	v3 =	vperm.xlane v3, v2;
	s31 =	simm.s32 $0x12B80  }
0x453: {  	[tilespmem:s31], [sflag:$0x5] =	stream.indirect_vreg.gather [hbm4b:s18+s5], $0x80, v4, vm0, $0xb8;
	[tilespmem:$0x18380] =	vst v63  }
0x454: {  	s6 =	simm.s32 $0x13380;
	v3 =	vadd.s32 v1, v3  }
0x455: {  	[tilespmem:s6], [sflag:$0x5] =	stream.indirect_vreg.gather [hbm4b:s19+s5], $0x80, v4, vm0, $0xb8;
	[tilespmem:$0x18380] =	vst v63  }
0x456: {  	s23 =	simm.s32 $0x13B80  }
0x457: {  	[tilespmem:s23], [sflag:$0x5] =	stream.indirect_vreg.gather [hbm4b:s20+s5], $0x80, v4, vm0, $0xb8;
	[tilespmem:$0x18380] =	vst v63  }
0x458: {  	s24 =	simm.s32 $0x14380  }
0x459: {  	[tilespmem:s24], [sflag:$0x5] =	stream.indirect_vreg.gather [hbm4b:s4+s5], $0x80, v3, vm0, $0xb8;
	[tilespmem:$0x18380] =	vst v63  }
0x45a: {  	s25 =	simm.s32 $0x14B80  }
0x45b: {  	[tilespmem:s25], [sflag:$0x5] =	stream.indirect_vreg.gather [hbm4b:s14+s5], $0x80, v3, vm0, $0xb8;
	[tilespmem:$0x18380] =	vst v63  }
0x45c: {  	s28 =	simm.s32 $0x15380  }
0x45d: {  	[tilespmem:s28], [sflag:$0x5] =	stream.indirect_vreg.gather [hbm4b:s15+s5], $0x80, v3, vm0, $0xb8;
	[tilespmem:$0x18380] =	vst v63  }
0x45e: {  	s30 =	simm.s32 $0x15B80  }
0x45f: {  	[tilespmem:s30], [sflag:$0x5] =	stream.indirect_vreg.gather [hbm4b:s16+s5], $0x80, v3, vm0, $0xb8;
	[tilespmem:$0x18380] =	vst v63  }
0x460: {  	s6 =	simm.s32 $0x16380  }
0x461: {  	[tilespmem:s6], [sflag:$0x5] =	stream.indirect_vreg.gather [hbm4b:s17+s5], $0x80, v3, vm0, $0xb8;
	[tilespmem:$0x18380] =	vst v63  }
0x462: {  	s30 =	simm.s32 $0x16B80  }
0x463: {  	[tilespmem:s30], [sflag:$0x5] =	stream.indirect_vreg.gather [hbm4b:s18+s5], $0x80, v3, vm0, $0xb8;
	[tilespmem:$0x18380] =	vst v63  }
0x464: {  	s21 =	simm.s32 $0x17380  }
0x465: {  	[tilespmem:s21], [sflag:$0x5] =	stream.indirect_vreg.gather [hbm4b:s19+s5], $0x80, v3, vm0, $0xb8;
	[tilespmem:$0x18380] =	vst v63  }
0x466: {  	s23 =	simm.s32 $0x17B80;
	s24 =	simm.s32 $0x4  }
0x467: {  	[tilespmem:s23], [sflag:$0x5] =	stream.indirect_vreg.gather [hbm4b:s20+s5], $0x80, v3, vm0, $0xb8;
	[tilespmem:$0x18380] =	vst v63  }
0x468: {  	_ =	swait.ge [sflag:s24], $0x8000  }
0x469: {  	[sflag:s24] =	ssyncset.done $0x0  }
0x46a: {  	[sflag:s24] =	ssyncadd.s32 $0xFFFF8000  }
0x46b: {  	v3 =	vld [tilespmem:$0x280];
	_ =	sdelay $0x4  }
0x46c: {  	v59 =	vshll.u32 v3, $0x4  }
0x46d: {  	v3 =	vand.u32 $0x7, v3;
	v4 =	vand.u32 $0xFFFFFF80, v59  }
0x46e: {  	v3 =	vor.u32 v3, v4  }
0x46f: {  	v4 =	vperm.xlane v3, v0;
	_ =	sdelay $0x1  }
0x470: {  	v4 =	vadd.s32 v1, v4;
	_ =	sdelay $0x3  }
0x471: {  	s25 =	simm.s32 $0x8380  }
0x472: {  	[hbm4b:s2+s5] =	stream.indirect_vreg.scatter [tilespmem:s25], [sflag:$0x7], $0x80, v4, vm0, $0xb8;
	[tilespmem:$0x18380] =	vst v63  }
0x473: {  	s28 =	simm.s32 $0x8B80  }
0x474: {  	[hbm4b:s7+s5] =	stream.indirect_vreg.scatter [tilespmem:s28], [sflag:$0x7], $0x80, v4, vm0, $0xb8;
	[tilespmem:$0x18380] =	vst v63  }
0x475: {  	s6 =	simm.s32 $0x9380  }
0x476: {  	[hbm4b:s8+s5] =	stream.indirect_vreg.scatter [tilespmem:s6], [sflag:$0x7], $0x80, v4, vm0, $0xb8;
	[tilespmem:$0x18380] =	vst v63  }
0x477: {  	s21 =	simm.s32 $0x9B80  }
0x478: {  	[hbm4b:s9+s5] =	stream.indirect_vreg.scatter [tilespmem:s21], [sflag:$0x7], $0x80, v4, vm0, $0xb8;
	[tilespmem:$0x18380] =	vst v63  }
0x479: {  	s23 =	simm.s32 $0xA380  }
0x47a: {  	[hbm4b:s10+s5] =	stream.indirect_vreg.scatter [tilespmem:s23], [sflag:$0x7], $0x80, v4, vm0, $0xb8;
	[tilespmem:$0x18380] =	vst v63  }
0x47b: {  	s24 =	simm.s32 $0xAB80;
	v3 =	vperm.xlane v3, v2  }
0x47c: {  	[hbm4b:s11+s5] =	stream.indirect_vreg.scatter [tilespmem:s24], [sflag:$0x7], $0x80, v4, vm0, $0xb8;
	[tilespmem:$0x18380] =	vst v63  }
0x47d: {  	v3 =	vadd.s32 v1, v3;
	s25 =	simm.s32 $0xB380  }
0x47e: {  	[hbm4b:s12+s5] =	stream.indirect_vreg.scatter [tilespmem:s25], [sflag:$0x7], $0x80, v4, vm0, $0xb8;
	[tilespmem:$0x18380] =	vst v63  }
0x47f: {  	s28 =	simm.s32 $0xBB80  }
0x480: {  	[hbm4b:s13+s5] =	stream.indirect_vreg.scatter [tilespmem:s28], [sflag:$0x7], $0x80, v4, vm0, $0xb8;
	[tilespmem:$0x18380] =	vst v63  }
0x481: {  	s6 =	simm.s32 $0xC380  }
0x482: {  	[hbm4b:s2+s5] =	stream.indirect_vreg.scatter [tilespmem:s6], [sflag:$0x7], $0x80, v3, vm0, $0xb8;
	[tilespmem:$0x18380] =	vst v63  }
0x483: {  	s21 =	simm.s32 $0xCB80  }
0x484: {  	[hbm4b:s7+s5] =	stream.indirect_vreg.scatter [tilespmem:s21], [sflag:$0x7], $0x80, v3, vm0, $0xb8;
	[tilespmem:$0x18380] =	vst v63  }
0x485: {  	s23 =	simm.s32 $0xD380  }
0x486: {  	[hbm4b:s8+s5] =	stream.indirect_vreg.scatter [tilespmem:s23], [sflag:$0x7], $0x80, v3, vm0, $0xb8;
	[tilespmem:$0x18380] =	vst v63  }
0x487: {  	s24 =	simm.s32 $0xDB80  }
0x488: {  	[hbm4b:s9+s5] =	stream.indirect_vreg.scatter [tilespmem:s24], [sflag:$0x7], $0x80, v3, vm0, $0xb8;
	[tilespmem:$0x18380] =	vst v63  }
0x489: {  	s25 =	simm.s32 $0xE380  }
0x48a: {  	[hbm4b:s10+s5] =	stream.indirect_vreg.scatter [tilespmem:s25], [sflag:$0x7], $0x80, v3, vm0, $0xb8;
	[tilespmem:$0x18380] =	vst v63  }
0x48b: {  	s28 =	simm.s32 $0xEB80  }
0x48c: {  	[hbm4b:s11+s5] =	stream.indirect_vreg.scatter [tilespmem:s28], [sflag:$0x7], $0x80, v3, vm0, $0xb8;
	[tilespmem:$0x18380] =	vst v63  }
0x48d: {  	s6 =	simm.s32 $0xF380  }
0x48e: {  	[hbm4b:s12+s5] =	stream.indirect_vreg.scatter [tilespmem:s6], [sflag:$0x7], $0x80, v3, vm0, $0xb8;
	[tilespmem:$0x18380] =	vst v63  }
0x48f: {  	s21 =	simm.s32 $0xFB80;
	s23 =	simm.s32 $0x6  }
0x490: {  	[hbm4b:s13+s5] =	stream.indirect_vreg.scatter [tilespmem:s21], [sflag:$0x7], $0x80, v3, vm0, $0xb8;
	[tilespmem:$0x18380] =	vst v63  }
0x491: {  	_ =	swait.ge [sflag:s23], $0x8000  }
0x492: {  	[sflag:s23] =	ssyncset.done $0x0  }
0x493: {  	[sflag:s23] =	ssyncadd.s32 $0xFFFF8000  }
0x494: {  	v3 =	vld [tilespmem:$0x1D0];
	_ =	sdelay $0x4  }
0x495: {  	v60 =	vshll.u32 v3, $0x4  }
0x496: {  	v3 =	vand.u32 $0x7, v3;
	v4 =	vand.u32 $0xFFFFFF80, v60  }
0x497: {  	v3 =	vor.u32 v3, v4  }
0x498: {  	v4 =	vperm.xlane v3, v0  }
0x499: {  	v61 =	vld [tilespmem:$0xD0]  }
0x49a: {  	v4 =	vadd.s32 v1, v4;
	_ =	sdelay $0x3  }
0x49b: {  	s21 =	simm.s32 $0x380;
	[tilespmem:$0x200] =	vst v61  }
0x49c: {  	[tilespmem:s21], [sflag:$0x3] =	stream.indirect_vreg.gather [hbm4b:s4+s5], $0x80, v4, vm0, $0xb8;
	[tilespmem:$0x18380] =	vst v63  }
0x49d: {  	s24 =	simm.s32 $0xB80  }
0x49e: {  	[tilespmem:s24], [sflag:$0x3] =	stream.indirect_vreg.gather [hbm4b:s14+s5], $0x80, v4, vm0, $0xb8;
	[tilespmem:$0x18380] =	vst v63  }
0x49f: {  	s25 =	simm.s32 $0x1380  }
0x4a0: {  	[tilespmem:s25], [sflag:$0x3] =	stream.indirect_vreg.gather [hbm4b:s15+s5], $0x80, v4, vm0, $0xb8;
	[tilespmem:$0x18380] =	vst v63  }
0x4a1: {  	s1 =	simm.s32 $0x1B80  }
0x4a2: {  	[tilespmem:s1], [sflag:$0x3] =	stream.indirect_vreg.gather [hbm4b:s16+s5], $0x80, v4, vm0, $0xb8;
	[tilespmem:$0x18380] =	vst v63  }
0x4a3: {  	s26 =	simm.s32 $0x2380  }
0x4a4: {  	[tilespmem:s26], [sflag:$0x3] =	stream.indirect_vreg.gather [hbm4b:s17+s5], $0x80, v4, vm0, $0xb8;
	[tilespmem:$0x18380] =	vst v63  }
0x4a5: {  	v3 =	vperm.xlane v3, v2;
	s25 =	simm.s32 $0x2B80  }
0x4a6: {  	[tilespmem:s25], [sflag:$0x3] =	stream.indirect_vreg.gather [hbm4b:s18+s5], $0x80, v4, vm0, $0xb8;
	[tilespmem:$0x18380] =	vst v63  }
0x4a7: {  	s23 =	simm.s32 $0x3380;
	v3 =	vadd.s32 v1, v3  }
0x4a8: {  	[tilespmem:s23], [sflag:$0x3] =	stream.indirect_vreg.gather [hbm4b:s19+s5], $0x80, v4, vm0, $0xb8;
	[tilespmem:$0x18380] =	vst v63  }
0x4a9: {  	s3 =	simm.s32 $0x3B80  }
0x4aa: {  	[tilespmem:s3], [sflag:$0x3] =	stream.indirect_vreg.gather [hbm4b:s20+s5], $0x80, v4, vm0, $0xb8;
	[tilespmem:$0x18380] =	vst v63  }
0x4ab: {  	s26 =	simm.s32 $0x4380  }
0x4ac: {  	[tilespmem:s26], [sflag:$0x3] =	stream.indirect_vreg.gather [hbm4b:s4+s5], $0x80, v3, vm0, $0xb8;
	[tilespmem:$0x18380] =	vst v63  }
0x4ad: {  	s22 =	simm.s32 $0x4B80  }
0x4ae: {  	[tilespmem:s22], [sflag:$0x3] =	stream.indirect_vreg.gather [hbm4b:s14+s5], $0x80, v3, vm0, $0xb8;
	[tilespmem:$0x18380] =	vst v63  }
0x4af: {  	s4 =	simm.s32 $0x5380  }
0x4b0: {  	[tilespmem:s4], [sflag:$0x3] =	stream.indirect_vreg.gather [hbm4b:s15+s5], $0x80, v3, vm0, $0xb8;
	[tilespmem:$0x18380] =	vst v63  }
0x4b1: {  	s6 =	simm.s32 $0x5B80  }
0x4b2: {  	[tilespmem:s6], [sflag:$0x3] =	stream.indirect_vreg.gather [hbm4b:s16+s5], $0x80, v3, vm0, $0xb8;
	[tilespmem:$0x18380] =	vst v63  }
0x4b3: {  	s22 =	simm.s32 $0x6380  }
0x4b4: {  	[tilespmem:s22], [sflag:$0x3] =	stream.indirect_vreg.gather [hbm4b:s17+s5], $0x80, v3, vm0, $0xb8;
	[tilespmem:$0x18380] =	vst v63  }
0x4b5: {  	_ = 	snop  }
0x4b6: {  	[tilespmem:s0], [sflag:$0x3] =	stream.indirect_vreg.gather [hbm4b:s18+s5], $0x80, v3, vm0, $0xb8;
	[tilespmem:$0x18380] =	vst v63  }
0x4b7: {  	s1 =	simm.s32 $0x7380  }
0x4b8: {  	[tilespmem:s1], [sflag:$0x3] =	stream.indirect_vreg.gather [hbm4b:s19+s5], $0x80, v3, vm0, $0xb8;
	[tilespmem:$0x18380] =	vst v63  }
0x4b9: {  	s24 =	simm.s32 $0x7B80;
	s0 =	simm.s32 $0x5  }
0x4ba: {  	[tilespmem:s24], [sflag:$0x3] =	stream.indirect_vreg.gather [hbm4b:s20+s5], $0x80, v3, vm0, $0xb8;
	[tilespmem:$0x18380] =	vst v63  }
0x4bb: {  	_ =	swait.ge [sflag:s0], $0x8000  }
0x4bc: {  	[sflag:s0] =	ssyncset.done $0x0  }
0x4bd: {  	[sflag:s0] =	ssyncadd.s32 $0xFFFF8000  }
0x4be: {  	v3 =	vld [tilespmem:$0x300];
	_ =	sdelay $0x4  }
0x4bf: {  	v62 =	vshll.u32 v3, $0x4  }
0x4c0: {  	v3 =	vand.u32 $0x7, v3;
	v4 =	vand.u32 $0xFFFFFF80, v62  }
0x4c1: {  	v3 =	vor.u32 v3, v4  }
0x4c2: {  	v4 =	vperm.xlane v3, v0;
	_ =	sdelay $0x1  }
0x4c3: {  	v4 =	vadd.s32 v1, v4;
	_ =	sdelay $0x3  }
0x4c4: {  	s0 =	simm.s32 $0x10380  }
0x4c5: {  	[hbm4b:s2+s5] =	stream.indirect_vreg.scatter [tilespmem:s0], [sflag:$0x8], $0x80, v4, vm0, $0xb8;
	[tilespmem:$0x18380] =	vst v63  }
0x4c6: {  	s0 =	simm.s32 $0x10B80  }
0x4c7: {  	[hbm4b:s7+s5] =	stream.indirect_vreg.scatter [tilespmem:s0], [sflag:$0x8], $0x80, v4, vm0, $0xb8;
	[tilespmem:$0x18380] =	vst v63  }
0x4c8: {  	s0 =	simm.s32 $0x11380  }
0x4c9: {  	[hbm4b:s8+s5] =	stream.indirect_vreg.scatter [tilespmem:s0], [sflag:$0x8], $0x80, v4, vm0, $0xb8;
	[tilespmem:$0x18380] =	vst v63  }
0x4ca: {  	s0 =	simm.s32 $0x11B80  }
0x4cb: {  	[hbm4b:s9+s5] =	stream.indirect_vreg.scatter [tilespmem:s0], [sflag:$0x8], $0x80, v4, vm0, $0xb8;
	[tilespmem:$0x18380] =	vst v63  }
0x4cc: {  	_ = 	snop  }
0x4cd: {  	[hbm4b:s10+s5] =	stream.indirect_vreg.scatter [tilespmem:s29], [sflag:$0x8], $0x80, v4, vm0, $0xb8;
	[tilespmem:$0x18380] =	vst v63  }
0x4ce: {  	v3 =	vperm.xlane v3, v2  }
0x4cf: {  	[hbm4b:s11+s5] =	stream.indirect_vreg.scatter [tilespmem:s31], [sflag:$0x8], $0x80, v4, vm0, $0xb8;
	[tilespmem:$0x18380] =	vst v63  }
0x4d0: {  	v3 =	vadd.s32 v1, v3;
	s29 =	simm.s32 $0x13380  }
0x4d1: {  	[hbm4b:s12+s5] =	stream.indirect_vreg.scatter [tilespmem:s29], [sflag:$0x8], $0x80, v4, vm0, $0xb8;
	[tilespmem:$0x18380] =	vst v63  }
0x4d2: {  	s31 =	simm.s32 $0x13B80  }
0x4d3: {  	[hbm4b:s13+s5] =	stream.indirect_vreg.scatter [tilespmem:s31], [sflag:$0x8], $0x80, v4, vm0, $0xb8;
	[tilespmem:$0x18380] =	vst v63  }
0x4d4: {  	s29 =	simm.s32 $0x14380  }
0x4d5: {  	[hbm4b:s2+s5] =	stream.indirect_vreg.scatter [tilespmem:s29], [sflag:$0x8], $0x80, v3, vm0, $0xb8;
	[tilespmem:$0x18380] =	vst v63  }
0x4d6: {  	s31 =	simm.s32 $0x14B80  }
0x4d7: {  	[hbm4b:s7+s5] =	stream.indirect_vreg.scatter [tilespmem:s31], [sflag:$0x8], $0x80, v3, vm0, $0xb8;
	[tilespmem:$0x18380] =	vst v63  }
0x4d8: {  	s29 =	simm.s32 $0x15380  }
0x4d9: {  	[hbm4b:s8+s5] =	stream.indirect_vreg.scatter [tilespmem:s29], [sflag:$0x8], $0x80, v3, vm0, $0xb8;
	[tilespmem:$0x18380] =	vst v63  }
0x4da: {  	s31 =	simm.s32 $0x15B80  }
0x4db: {  	[hbm4b:s9+s5] =	stream.indirect_vreg.scatter [tilespmem:s31], [sflag:$0x8], $0x80, v3, vm0, $0xb8;
	[tilespmem:$0x18380] =	vst v63  }
0x4dc: {  	s29 =	simm.s32 $0x16380  }
0x4dd: {  	[hbm4b:s10+s5] =	stream.indirect_vreg.scatter [tilespmem:s29], [sflag:$0x8], $0x80, v3, vm0, $0xb8;
	[tilespmem:$0x18380] =	vst v63  }
0x4de: {  	_ = 	snop  }
0x4df: {  	[hbm4b:s11+s5] =	stream.indirect_vreg.scatter [tilespmem:s30], [sflag:$0x8], $0x80, v3, vm0, $0xb8;
	[tilespmem:$0x18380] =	vst v63  }
0x4e0: {  	s31 =	simm.s32 $0x17380  }
0x4e1: {  	[hbm4b:s12+s5] =	stream.indirect_vreg.scatter [tilespmem:s31], [sflag:$0x8], $0x80, v3, vm0, $0xb8;
	[tilespmem:$0x18380] =	vst v63  }
0x4e2: {  	s29 =	simm.s32 $0x17B80;
	s30 =	simm.s32 $0x3  }
0x4e3: {  	[hbm4b:s13+s5] =	stream.indirect_vreg.scatter [tilespmem:s29], [sflag:$0x8], $0x80, v3, vm0, $0xb8;
	[tilespmem:$0x18380] =	vst v63  }
0x4e4: {  	_ =	swait.ge [sflag:s30], $0x8000  }
0x4e5: {  	[sflag:s30] =	ssyncset.done $0x0  }
0x4e6: {  	[sflag:s30] =	ssyncadd.s32 $0xFFFF8000  }
0x4e7: {  	v3 =	vld [tilespmem:$0x200];
	_ =	sdelay $0x4  }
0x4e8: {  	v63 =	vshll.u32 v3, $0x4  }
0x4e9: {  	v3 =	vand.u32 $0x7, v3;
	v4 =	vand.u32 $0xFFFFFF80, v63  }
0x4ea: {  	v3 =	vor.u32 v3, v4  }
0x4eb: {  	v4 =	vperm.xlane v3, v0;
	_ =	sdelay $0x1  }
0x4ec: {  	v4 =	vadd.s32 v1, v4;
	_ =	sdelay $0x4  }
0x4ed: {  	[hbm4b:s2+s5] =	stream.indirect_vreg.scatter [tilespmem:s21], [sflag:$0x6], $0x80, v4, vm0, $0xb8;
	[tilespmem:$0x18380] =	vst v63  }
0x4ee: {  	s31 =	simm.s32 $0xB80  }
0x4ef: {  	[hbm4b:s7+s5] =	stream.indirect_vreg.scatter [tilespmem:s31], [sflag:$0x6], $0x80, v4, vm0, $0xb8;
	[tilespmem:$0x18380] =	vst v63  }
0x4f0: {  	s29 =	simm.s32 $0x1380  }
0x4f1: {  	[hbm4b:s8+s5] =	stream.indirect_vreg.scatter [tilespmem:s29], [sflag:$0x6], $0x80, v4, vm0, $0xb8;
	[tilespmem:$0x18380] =	vst v63  }
0x4f2: {  	s30 =	simm.s32 $0x1B80  }
0x4f3: {  	[hbm4b:s9+s5] =	stream.indirect_vreg.scatter [tilespmem:s30], [sflag:$0x6], $0x80, v4, vm0, $0xb8;
	[tilespmem:$0x18380] =	vst v63  }
0x4f4: {  	s31 =	simm.s32 $0x2380  }
0x4f5: {  	[hbm4b:s10+s5] =	stream.indirect_vreg.scatter [tilespmem:s31], [sflag:$0x6], $0x80, v4, vm0, $0xb8;
	[tilespmem:$0x18380] =	vst v63  }
0x4f6: {  	v3 =	vperm.xlane v3, v2  }
0x4f7: {  	[hbm4b:s11+s5] =	stream.indirect_vreg.scatter [tilespmem:s25], [sflag:$0x6], $0x80, v4, vm0, $0xb8;
	[tilespmem:$0x18380] =	vst v63  }
0x4f8: {  	v3 =	vadd.s32 v1, v3  }
0x4f9: {  	[hbm4b:s12+s5] =	stream.indirect_vreg.scatter [tilespmem:s23], [sflag:$0x6], $0x80, v4, vm0, $0xb8;
	[tilespmem:$0x18380] =	vst v63  }
0x4fa: {  	_ = 	snop  }
0x4fb: {  	[hbm4b:s13+s5] =	stream.indirect_vreg.scatter [tilespmem:s3], [sflag:$0x6], $0x80, v4, vm0, $0xb8;
	[tilespmem:$0x18380] =	vst v63  }
0x4fc: {  	_ = 	snop  }
0x4fd: {  	[hbm4b:s2+s5] =	stream.indirect_vreg.scatter [tilespmem:s26], [sflag:$0x6], $0x80, v3, vm0, $0xb8;
	[tilespmem:$0x18380] =	vst v63  }
0x4fe: {  	s26 =	simm.s32 $0x4B80  }
0x4ff: {  	[hbm4b:s7+s5] =	stream.indirect_vreg.scatter [tilespmem:s26], [sflag:$0x6], $0x80, v3, vm0, $0xb8;
	[tilespmem:$0x18380] =	vst v63  }
0x500: {  	_ = 	snop  }
0x501: {  	[hbm4b:s8+s5] =	stream.indirect_vreg.scatter [tilespmem:s4], [sflag:$0x6], $0x80, v3, vm0, $0xb8;
	[tilespmem:$0x18380] =	vst v63  }
0x502: {  	_ = 	snop  }
0x503: {  	[hbm4b:s9+s5] =	stream.indirect_vreg.scatter [tilespmem:s6], [sflag:$0x6], $0x80, v3, vm0, $0xb8;
	[tilespmem:$0x18380] =	vst v63  }
0x504: {  	_ = 	snop  }
0x505: {  	[hbm4b:s10+s5] =	stream.indirect_vreg.scatter [tilespmem:s22], [sflag:$0x6], $0x80, v3, vm0, $0xb8;
	[tilespmem:$0x18380] =	vst v63  }
0x506: {  	s29 =	simm.s32 $0x6B80  }
0x507: {  	[hbm4b:s11+s5] =	stream.indirect_vreg.scatter [tilespmem:s29], [sflag:$0x6], $0x80, v3, vm0, $0xb8;
	[tilespmem:$0x18380] =	vst v63  }
0x508: {  	_ = 	snop  }
0x509: {  	[hbm4b:s12+s5] =	stream.indirect_vreg.scatter [tilespmem:s1], [sflag:$0x6], $0x80, v3, vm0, $0xb8;
	[tilespmem:$0x18380] =	vst v63  }
0x50a: {  	s30 =	simm.s32 $0x7  }
0x50b: {  	[hbm4b:s13+s5] =	stream.indirect_vreg.scatter [tilespmem:s24], [sflag:$0x6], $0x80, v3, vm0, $0xb8;
	[tilespmem:$0x18380] =	vst v63  }
0x50c: {  	s21 =	rddreg [dreg:$0xe];
	_ =	swait.ge [sflag:s30], $0x8000  }
0x50d: {  	[sflag:s30] =	ssyncset.done $0x0  }
0x50e: {  	s31 =	simm.s32 $0x8;
	[sflag:s30] =	ssyncadd.s32 $0xFFFF8000  }
0x50f: {  	p0 =	sne.s32 s21, $0x1;
	_ =	swait.ge [sflag:s31], $0x8000  }
.Ltmp0:
0x510: {  	[sflag:s31] =	ssyncset.done $0x0;
	(pc) =	sbr.rel @p0 .LBB2_1-.Ltmp0, $4  }
0x511: {  	s28 =	simm.s32 $0x6;
	[sflag:s31] =	ssyncadd.s32 $0xFFFF8000  }
0x512: {  	_ =	swait.ge [sflag:s28], $0x8000  }
0x513: {  	[sflag:s28] =	ssyncset.done $0x0  }
0x514: {  	s21 =	sadd.s32 $0xFFFFFFFF, s21;
	[sflag:s28] =	ssyncadd.s32 $0xFFFF8000  }
0x515: {  	_ =	sfence.sel $0x180000  }
0x516: {  	[bflag:$0x0] =	sbarrier.arrive $0xFFFF  }
0x517: {  	_ =	strace $0x90000047  }
0x518: {  	s0 =	stileid.u32;
	[bflag:$0x2] =	sbarrier.arrive $0xFFFF  }
0x519: {  	p0 =	sne.s32 s0, $0x0;
	s0 =	rddreg [dreg:$0x6]  }
0x51a: {  	s0 =	sadd.s32 @!p0 $0x100000, s0  }
0x51b: {  	[sflag:s0] =	ssyncadd.tile.s32 @!p0 $0x1;
	_ =	shalt  }
.Lfunc_end2:
_tile_overlayer_lowered:
.L_overlay_start_2:
0x51c: {  	(tag) =	ssettag $0x2  }
0x51d: {  	s0 =	rddreg [dreg:$0x0];
	s2 =	stileid.u32  }
0x51e: {  	s1 =	rddreg [dreg:$0x1];
	p0 =	sne.s32 s2, $0x0  }
0x51f: {  	s3 =	rddreg [dreg:$0x2];
	[bflag:$0x3] =	sbarrier.arrive $0xFFFF;
	s2 =	simm.s32 @!p0 $0x1C09  }
0x520: {  	[timem:s3], [sflag:s2] =	dma.local @!p0 [hbm:s0], s1  }
0x521: {  	s0 =	simm.s32 @!p0 $0x9  }
0x522: {  	_ =	swait.ge @!p0 [sflag:s0], s1  }
0x523: {  	s1 =	ssub.s32 @!p0 $0x0, s1;
	[sflag:s0] =	ssyncset.done @!p0 $0x0  }
0x524: {  	[sflag:s0] =	ssyncadd.s32 @!p0 s1  }
0x525: {  	[bflag:$0x3] =	sbarrier.arrive $0xFFFF  }
0x526: {  	_ =	shalt  }

</sc_bundles>
